<compile_context>
chip_gen: v7x
topology: tpu7x:2x2x1
jax: 0.10.2.dev20260603
libtpu: 0.0.44.dev20260713+nightly
codegen_flags: <defaults>
</compile_context>

<pallas_src>
import functools
import math

import jax
import jax.numpy as jnp
from jax import lax
from jax.experimental import pallas as pl
from jax.experimental.pallas import tpu as pltpu
from jax.experimental.pallas import tpu_sc as plsc

_NC = 2
_NS = 16
_NW = _NC * _NS

_BB = 128
_L = 16


def _build_lookup(batch: int, seq: int, dim: int, scale: float):
    assert batch == _NW * _BB and dim % 8 == 0 and seq % 2 == 0
    fb_n = dim // 8

    mesh = plsc.VectorSubcoreMesh(core_axis_name="c", subcore_axis_name="s",
                                  num_cores=_NC, num_subcores=_NS)

    @functools.partial(
        pl.kernel,
        mesh=mesh,
        compiler_params=pltpu.CompilerParams(use_tc_tiling_on_sc=False,
                                             needs_layout_passes=False),
        out_type=jax.ShapeDtypeStruct((seq, fb_n, _NW, 8, 128), jnp.float32),
        scratch_types=[
            pltpu.VMEM((seq, _BB), jnp.int32),
            pltpu.VMEM((_BB, dim), jnp.float32),
            pltpu.VMEM((_BB, dim), jnp.float32),
            pltpu.VMEM((dim, _BB + 1), jnp.float32),
            pltpu.VMEM((dim, _BB + 1), jnp.float32),
            pltpu.SemaphoreType.DMA,
            pltpu.SemaphoreType.DMA,
            pltpu.SemaphoreType.DMA,
            pltpu.SemaphoreType.DMA,
        ],
    )
    def k(table_hbm, idx_hbm, out_hbm, idx_v, buf0, buf1, tb0, tb1,
          g0, g1, s0, s1):
        wid = lax.axis_index("s") * _NC + lax.axis_index("c")
        bufs, tbs, gsems, ssems = (buf0, buf1), (tb0, tb1), (g0, g1), (s0, s1)

        pltpu.sync_copy(idx_hbm.at[:, pl.ds(wid * _BB, _BB)], idx_v)

        def start_gather(s, p):
            pltpu.async_copy(table_hbm.at[idx_v.at[s]], bufs[p], gsems[p])

        def wait_gather(p):
            pltpu.make_async_copy(table_hbm.at[pl.ds(0, _BB)], bufs[p],
                                  gsems[p]).wait()

        def wait_stores(p):
            pltpu.make_async_copy(table_hbm.at[pl.ds(0, _BB)], bufs[p],
                                  ssems[p]).wait()

        iota = lax.iota(jnp.int32, _L)
        rows_f0 = [iota + f0 * _L for f0 in range(dim // _L)]

        def transpose_scale(p):
            buf, tb = bufs[p], tbs[p]

            @plsc.parallel_loop(0, _BB, unroll=4)
            def _(t):
                cols = jnp.full((_L,), 0, jnp.int32) + t
                for f0 in range(dim // _L):
                    v = buf[t, pl.ds(f0 * _L, _L)]
                    plsc.store_scatter(tb, [rows_f0[f0], cols], v * scale)

        def start_stores(s, p):
            tb = tbs[p]
            for fb in range(fb_n):
                pltpu.async_copy(tb.at[pl.ds(fb * 8, 8), pl.ds(0, _BB)],
                                 out_hbm.at[s, fb, wid], ssems[p])

        start_gather(0, 0)
        start_gather(1, 1)

        def loop_body(s2, carry):
            for p in range(2):
                s = 2 * s2 + p
                wait_gather(p)

                @pl.when(s2 >= 1)
                def _():
                    wait_stores(p)

                transpose_scale(p)
                start_stores(s, p)

                @pl.when(s + 2 < seq)
                def _():
                    start_gather(s + 2, p)
            return carry

        lax.fori_loop(0, seq // 2, loop_body, 0)
        wait_stores(0)
        wait_stores(1)

    return k


def kernel(token_ids_batch, table):
    batch, seq = token_ids_batch.shape
    vocab, dim = table.shape
    scale = math.sqrt(dim)
    idx_t = jnp.transpose(token_ids_batch).astype(jnp.int32)
    out5d = _build_lookup(batch, seq, dim, scale)(table, idx_t)
    out = jnp.transpose(out5d, (2, 4, 0, 1, 3)).reshape(batch, seq, dim)
    return out

# --- scband reference (transcript-rebuilt; emitter-appended) ---
"""Pipeline reference for scband-token-embedding-11381663335057 (READ-ONLY COPY).

The authoritative reference and input builder live on the scoring server;
editing this copy changes nothing except your own understanding.
"""

import math
import jax, jax.numpy as jnp
import numpy as np

VOCAB = 1000000
DIM = 64
BATCH = 4096
SEQ = 200

def setup_inputs(seed: int = 0) -> dict:
    key = jax.random.key(seed)
    k1, k2 = jax.random.split(key)
    token_ids_batch = jax.random.randint(k1, (BATCH, SEQ), 0, VOCAB, dtype=jnp.int64 if jax.config.jax_enable_x64 else jnp.int32)
    # Keras Embedding default initializer is uniform(-0.05, 0.05)
    table = jax.random.uniform(k2, (VOCAB, DIM), dtype=jnp.float32, minval=-0.05, maxval=0.05)
    return {"token_ids_batch": token_ids_batch, "table": table}

def reference(token_ids_batch, table):
    embeddings = jnp.take(table, token_ids_batch, axis=0)
    embeddings = embeddings * math.sqrt(DIM)
    return embeddings

if __name__ == "__main__":
    import jax
    _d = setup_inputs()
    print(jax.jit(kernel)(*tuple(_d.values())))

</pallas_src>

<mosaic_0001>
#map = affine_map<(d0, d1) -> (0, 0)>
#map1 = affine_map<(d0, d1) -> (0, 0, 0, 0, 0)>
module attributes {stable_mosaic.version = 14 : i64} {
  func.func @k(%arg0: i32, %arg1: i32, %arg2: memref<1000000x64xf32, #tpu.memory_space<hbm>>, %arg3: memref<200x4096xi32, #tpu.memory_space<hbm>>, %arg4: memref<200x8x32x8x128xf32, #tpu.memory_space<hbm>>, %arg5: memref<200x128xi32, #tpu.memory_space<vmem>>, %arg6: memref<128x64xf32, #tpu.memory_space<vmem>>, %arg7: memref<128x64xf32, #tpu.memory_space<vmem>>, %arg8: memref<64x129xf32, #tpu.memory_space<vmem>>, %arg9: memref<64x129xf32, #tpu.memory_space<vmem>>, %arg10: memref<!tpu.dma_semaphore, #tpu.memory_space<semaphore_mem>>, %arg11: memref<!tpu.dma_semaphore, #tpu.memory_space<semaphore_mem>>, %arg12: memref<!tpu.dma_semaphore, #tpu.memory_space<semaphore_mem>>, %arg13: memref<!tpu.dma_semaphore, #tpu.memory_space<semaphore_mem>>) attributes {dimension_semantics = [#tpu.dimension_semantics<core_parallel>, #tpu.dimension_semantics<subcore_parallel>], iteration_bounds = array<i64: 2, 16>, scalar_prefetch = 0 : i64, scratch_operands = 9 : i64, tpu.core_type = #tpu.core_type<sc_vector_subcore>, window_params = [{transform_indices = #map}, {transform_indices = #map}, {transform_indices = #map1}]} {
    %mul3A = arith.constant 2 : i32
    %mul3A_0 = arith.muli %arg1, %mul3A : i32
    %add3A = arith.addi %mul3A_0, %arg0 : i32
    %mul3A_1 = arith.constant 128 : i32
    %mul3A_2 = arith.muli %add3A, %mul3A_1 : i32
    "tpu.region"() ({
      %run_scoped3A = tpu.sem_alloc : memref<!tpu.dma_semaphore, #tpu.memory_space<semaphore_mem>>
      %dma_start3A_44 = arith.constant 0 : i32
      %dma_start3A_45 = tpu.memref_slice %arg3[%dma_start3A_44, %mul3A_2] : memref<200x4096xi32, #tpu.memory_space<hbm>> -> memref<200x128xi32, #tpu.memory_space<hbm>>
      %dma_start3A_46 = arith.constant 0 : i32
      %dma_start3A_47 = tpu.memref_slice %arg3[%dma_start3A_46, %mul3A_2] : memref<200x4096xi32, #tpu.memory_space<hbm>> -> memref<200x128xi32, #tpu.memory_space<hbm>>
      tpu.enqueue_dma source(%dma_start3A_47 : memref<200x128xi32, #tpu.memory_space<hbm>>) target(%arg5 : memref<200x128xi32, #tpu.memory_space<vmem>>) target_semaphore(%run_scoped3A : memref<!tpu.dma_semaphore, #tpu.memory_space<semaphore_mem>>)
      %dma_wait3A_48 = arith.constant 0 : i32
      %dma_wait3A_49 = tpu.memref_slice %arg3[%dma_wait3A_48, %mul3A_2] : memref<200x4096xi32, #tpu.memory_space<hbm>> -> memref<200x128xi32, #tpu.memory_space<hbm>>
      %dma_wait3A_50 = arith.constant 0 : i32
      %dma_wait3A_51 = tpu.memref_slice %arg3[%dma_wait3A_50, %mul3A_2] : memref<200x4096xi32, #tpu.memory_space<hbm>> -> memref<200x128xi32, #tpu.memory_space<hbm>>
      tpu.wait_dma2 semaphore(%run_scoped3A : memref<!tpu.dma_semaphore, #tpu.memory_space<semaphore_mem>>) src(%dma_wait3A_51 : memref<200x128xi32, #tpu.memory_space<hbm>>) dst(%arg5 : memref<200x128xi32, #tpu.memory_space<vmem>>)
      tpu.yield
    }) : () -> ()
    %iota3A = tpu.iota {dimensions = array<i32: 0>} : vector<16xi32>
    %add3A_3 = arith.constant 0 : i32
    %add3A_4 = vector.broadcast %add3A_3 : i32 to vector<16xi32>
    %add3A_5 = arith.addi %iota3A, %add3A_4 : vector<16xi32>
    %add3A_6 = arith.constant 16 : i32
    %add3A_7 = vector.broadcast %add3A_6 : i32 to vector<16xi32>
    %add3A_8 = arith.addi %iota3A, %add3A_7 : vector<16xi32>
    %add3A_9 = arith.constant 32 : i32
    %add3A_10 = vector.broadcast %add3A_9 : i32 to vector<16xi32>
    %add3A_11 = arith.addi %iota3A, %add3A_10 : vector<16xi32>
    %add3A_12 = arith.constant 48 : i32
    %add3A_13 = vector.broadcast %add3A_12 : i32 to vector<16xi32>
    %add3A_14 = arith.addi %iota3A, %add3A_13 : vector<16xi32>
    %dma_start3A = arith.constant 0 : i32
    %dma_start3A_15 = arith.constant 0 : i32
    %dma_start3A_16 = tpu.memref_slice %arg5[%dma_start3A, %dma_start3A_15] : memref<200x128xi32, #tpu.memory_space<vmem>> -> memref<1x128xi32, #tpu.memory_space<vmem>>
    %dma_start3A_17 = tpu.memref_squeeze %dma_start3A_16 : memref<1x128xi32, #tpu.memory_space<vmem>> -> memref<128xi32, #tpu.memory_space<vmem>>
    %dma_start3A_18 = arith.constant 0 : i32
    %dma_start3A_19 = arith.constant 0 : i32
    %dma_start3A_20 = tpu.memref_slice %arg2[%dma_start3A_18, %dma_start3A_19] : memref<1000000x64xf32, #tpu.memory_space<hbm>> -> memref<1000000x64xf32, #tpu.memory_space<hbm>>
    tpu.enqueue_indirect_dma source(%dma_start3A_20 : memref<1000000x64xf32, #tpu.memory_space<hbm>>) target(%arg6 : memref<128x64xf32, #tpu.memory_space<vmem>>) offsets(%dma_start3A_17 : memref<128xi32, #tpu.memory_space<vmem>>) semaphore(%arg10 : memref<!tpu.dma_semaphore, #tpu.memory_space<semaphore_mem>>)
    %dma_start3A_21 = arith.constant 1 : i32
    %dma_start3A_22 = arith.constant 0 : i32
    %dma_start3A_23 = tpu.memref_slice %arg5[%dma_start3A_21, %dma_start3A_22] : memref<200x128xi32, #tpu.memory_space<vmem>> -> memref<1x128xi32, #tpu.memory_space<vmem>>
    %dma_start3A_24 = tpu.memref_squeeze %dma_start3A_23 : memref<1x128xi32, #tpu.memory_space<vmem>> -> memref<128xi32, #tpu.memory_space<vmem>>
    %dma_start3A_25 = arith.constant 0 : i32
    %dma_start3A_26 = arith.constant 0 : i32
    %dma_start3A_27 = tpu.memref_slice %arg2[%dma_start3A_25, %dma_start3A_26] : memref<1000000x64xf32, #tpu.memory_space<hbm>> -> memref<1000000x64xf32, #tpu.memory_space<hbm>>
    tpu.enqueue_indirect_dma source(%dma_start3A_27 : memref<1000000x64xf32, #tpu.memory_space<hbm>>) target(%arg7 : memref<128x64xf32, #tpu.memory_space<vmem>>) offsets(%dma_start3A_24 : memref<128xi32, #tpu.memory_space<vmem>>) semaphore(%arg11 : memref<!tpu.dma_semaphore, #tpu.memory_space<semaphore_mem>>)
    %scan3A = arith.constant 0 : i32
    %scan3A_28 = arith.constant 0 : i32
    %scan3A_29 = arith.constant 100 : i32
    %scan3A_30 = arith.addi %scan3A_28, %scan3A_29 : i32
    %scan3A_31 = arith.constant 1 : i32
    scf.for %scan3A_44 = %scan3A_28 to %scan3A_30 step %scan3A_31  : i32 {
      %mul3A_45 = arith.constant 2 : i32
      %mul3A_46 = arith.muli %mul3A_45, %scan3A_44 : i32
      %add3A_47 = arith.constant 0 : i32
      %add3A_48 = arith.addi %mul3A_46, %add3A_47 : i32
      %dma_wait3A_49 = arith.constant 0 : i32
      %dma_wait3A_50 = arith.constant 0 : i32
      %dma_wait3A_51 = tpu.memref_slice %arg2[%dma_wait3A_49, %dma_wait3A_50] : memref<1000000x64xf32, #tpu.memory_space<hbm>> -> memref<128x64xf32, #tpu.memory_space<hbm>>
      %dma_wait3A_52 = arith.constant 0 : i32
      %dma_wait3A_53 = arith.constant 0 : i32
      %dma_wait3A_54 = tpu.memref_slice %arg2[%dma_wait3A_52, %dma_wait3A_53] : memref<1000000x64xf32, #tpu.memory_space<hbm>> -> memref<128x64xf32, #tpu.memory_space<hbm>>
      tpu.wait_dma2 semaphore(%arg10 : memref<!tpu.dma_semaphore, #tpu.memory_space<semaphore_mem>>) src(%dma_wait3A_54 : memref<128x64xf32, #tpu.memory_space<hbm>>) dst(%arg6 : memref<128x64xf32, #tpu.memory_space<vmem>>)
      %ge3A = arith.constant 1 : i32
      %ge3A_55 = arith.cmpi sge, %scan3A_44, %ge3A : i32
      %convert_element_type3A = arith.extui %ge3A_55 : i1 to i32
      %cond3A = arith.constant 0 : i32
      %cond3A_56 = arith.cmpi ne, %convert_element_type3A, %cond3A : i32
      scf.if %cond3A_56 {
        %dma_wait3A_330 = arith.constant 0 : i32
        %dma_wait3A_331 = arith.constant 0 : i32
        %dma_wait3A_332 = tpu.memref_slice %arg2[%dma_wait3A_330, %dma_wait3A_331] : memref<1000000x64xf32, #tpu.memory_space<hbm>> -> memref<128x64xf32, #tpu.memory_space<hbm>>
        %dma_wait3A_333 = arith.constant 0 : i32
        %dma_wait3A_334 = arith.constant 0 : i32
        %dma_wait3A_335 = tpu.memref_slice %arg2[%dma_wait3A_333, %dma_wait3A_334] : memref<1000000x64xf32, #tpu.memory_space<hbm>> -> memref<128x64xf32, #tpu.memory_space<hbm>>
        tpu.wait_dma2 semaphore(%arg12 : memref<!tpu.dma_semaphore, #tpu.memory_space<semaphore_mem>>) src(%dma_wait3A_335 : memref<128x64xf32, #tpu.memory_space<hbm>>) dst(%arg6 : memref<128x64xf32, #tpu.memory_space<vmem>>)
      } else {
      }
      %parallel_loop3A = arith.constant 0 : i32
      %parallel_loop3A_57 = arith.constant 128 : i32
      %parallel_loop3A_58 = arith.constant 1 : i32
      scf.for %parallel_loop3A_330 = %parallel_loop3A to %parallel_loop3A_57 step %parallel_loop3A_58  : i32 {
        %parallel_loop3A_331 = arith.constant 0 : i32
        %parallel_loop3A_332 = vector.broadcast %parallel_loop3A_331 : i32 to vector<16xi32>
        %parallel_loop3A_333 = vector.broadcast %parallel_loop3A_330 : i32 to vector<16xi32>
        %parallel_loop3A_334 = arith.addi %parallel_loop3A_332, %parallel_loop3A_333 : vector<16xi32>
        %parallel_loop3A_335 = arith.index_cast %parallel_loop3A_330 : i32 to index
        %parallel_loop3A_336 = arith.constant 0 : index
        %parallel_loop3A_337 = tpu.vector_load %arg6[%parallel_loop3A_335, %parallel_loop3A_336] {strides = array<i32>} : memref<128x64xf32, #tpu.memory_space<vmem>>, vector<16xf32>,
        %parallel_loop3A_338 = arith.constant 8.000000e+00 : f32
        %parallel_loop3A_339 = vector.broadcast %parallel_loop3A_338 : f32 to vector<16xf32>
        %parallel_loop3A_340 = arith.mulf %parallel_loop3A_337, %parallel_loop3A_339 : vector<16xf32>
        tpu.vector_store_idx %arg8[%add3A_5, %parallel_loop3A_334], %parallel_loop3A_340 : memref<64x129xf32, #tpu.memory_space<vmem>>[vector<16xi32>, vector<16xi32>], vector<16xf32>,
        %parallel_loop3A_341 = arith.index_cast %parallel_loop3A_330 : i32 to index
        %parallel_loop3A_342 = arith.constant 16 : index
        %parallel_loop3A_343 = tpu.vector_load %arg6[%parallel_loop3A_341, %parallel_loop3A_342] {strides = array<i32>} : memref<128x64xf32, #tpu.memory_space<vmem>>, vector<16xf32>,
        %parallel_loop3A_344 = arith.constant 8.000000e+00 : f32
        %parallel_loop3A_345 = vector.broadcast %parallel_loop3A_344 : f32 to vector<16xf32>
        %parallel_loop3A_346 = arith.mulf %parallel_loop3A_343, %parallel_loop3A_345 : vector<16xf32>
        tpu.vector_store_idx %arg8[%add3A_8, %parallel_loop3A_334], %parallel_loop3A_346 : memref<64x129xf32, #tpu.memory_space<vmem>>[vector<16xi32>, vector<16xi32>], vector<16xf32>,
        %parallel_loop3A_347 = arith.index_cast %parallel_loop3A_330 : i32 to index
        %parallel_loop3A_348 = arith.constant 32 : index
        %parallel_loop3A_349 = tpu.vector_load %arg6[%parallel_loop3A_347, %parallel_loop3A_348] {strides = array<i32>} : memref<128x64xf32, #tpu.memory_space<vmem>>, vector<16xf32>,
        %parallel_loop3A_350 = arith.constant 8.000000e+00 : f32
        %parallel_loop3A_351 = vector.broadcast %parallel_loop3A_350 : f32 to vector<16xf32>
        %parallel_loop3A_352 = arith.mulf %parallel_loop3A_349, %parallel_loop3A_351 : vector<16xf32>
        tpu.vector_store_idx %arg8[%add3A_11, %parallel_loop3A_334], %parallel_loop3A_352 : memref<64x129xf32, #tpu.memory_space<vmem>>[vector<16xi32>, vector<16xi32>], vector<16xf32>,
        %parallel_loop3A_353 = arith.index_cast %parallel_loop3A_330 : i32 to index
        %parallel_loop3A_354 = arith.constant 48 : index
        %parallel_loop3A_355 = tpu.vector_load %arg6[%parallel_loop3A_353, %parallel_loop3A_354] {strides = array<i32>} : memref<128x64xf32, #tpu.memory_space<vmem>>, vector<16xf32>,
        %parallel_loop3A_356 = arith.constant 8.000000e+00 : f32
        %parallel_loop3A_357 = vector.broadcast %parallel_loop3A_356 : f32 to vector<16xf32>
        %parallel_loop3A_358 = arith.mulf %parallel_loop3A_355, %parallel_loop3A_357 : vector<16xf32>
        tpu.vector_store_idx %arg8[%add3A_14, %parallel_loop3A_334], %parallel_loop3A_358 : memref<64x129xf32, #tpu.memory_space<vmem>>[vector<16xi32>, vector<16xi32>], vector<16xf32>,
      } {sc.loop_unroll_factor = 4 : i64, sc.parallel_access}
      %dma_start3A_59 = arith.constant 0 : i32
      %dma_start3A_60 = arith.constant 0 : i32
      %dma_start3A_61 = arith.constant 0 : i32
      %dma_start3A_62 = tpu.memref_slice %arg8[%dma_start3A_60, %dma_start3A_61] : memref<64x129xf32, #tpu.memory_space<vmem>> -> memref<8x128xf32, #tpu.memory_space<vmem>>
      %dma_start3A_63 = arith.constant 0 : i32
      %dma_start3A_64 = arith.constant 0 : i32
      %dma_start3A_65 = tpu.memref_slice %arg4[%add3A_48, %dma_start3A_59, %add3A, %dma_start3A_63, %dma_start3A_64] : memref<200x8x32x8x128xf32, #tpu.memory_space<hbm>> -> memref<1x1x1x8x128xf32, #tpu.memory_space<hbm>>
      %dma_start3A_66 = tpu.memref_squeeze %dma_start3A_65 : memref<1x1x1x8x128xf32, #tpu.memory_space<hbm>> -> memref<8x128xf32, #tpu.memory_space<hbm>>
      %dma_start3A_67 = arith.constant 0 : i32
      %dma_start3A_68 = arith.constant 0 : i32
      %dma_start3A_69 = tpu.memref_slice %arg4[%add3A_48, %dma_start3A_59, %add3A, %dma_start3A_67, %dma_start3A_68] : memref<200x8x32x8x128xf32, #tpu.memory_space<hbm>> -> memref<1x1x1x8x128xf32, #tpu.memory_space<hbm>>
      %dma_start3A_70 = tpu.memref_squeeze %dma_start3A_69 : memref<1x1x1x8x128xf32, #tpu.memory_space<hbm>> -> memref<8x128xf32, #tpu.memory_space<hbm>>
      %dma_start3A_71 = arith.constant 0 : i32
      %dma_start3A_72 = arith.constant 0 : i32
      %dma_start3A_73 = tpu.memref_slice %arg8[%dma_start3A_71, %dma_start3A_72] : memref<64x129xf32, #tpu.memory_space<vmem>> -> memref<8x128xf32, #tpu.memory_space<vmem>>
      tpu.enqueue_dma source(%dma_start3A_73 : memref<8x128xf32, #tpu.memory_space<vmem>>) target(%dma_start3A_70 : memref<8x128xf32, #tpu.memory_space<hbm>>) target_semaphore(%arg12 : memref<!tpu.dma_semaphore, #tpu.memory_space<semaphore_mem>>)
      %dma_start3A_74 = arith.constant 1 : i32
      %dma_start3A_75 = arith.constant 8 : i32
      %dma_start3A_76 = arith.constant 0 : i32
      %dma_start3A_77 = tpu.memref_slice %arg8[%dma_start3A_75, %dma_start3A_76] : memref<64x129xf32, #tpu.memory_space<vmem>> -> memref<8x128xf32, #tpu.memory_space<vmem>>
      %dma_start3A_78 = arith.constant 0 : i32
      %dma_start3A_79 = arith.constant 0 : i32
      %dma_start3A_80 = tpu.memref_slice %arg4[%add3A_48, %dma_start3A_74, %add3A, %dma_start3A_78, %dma_start3A_79] : memref<200x8x32x8x128xf32, #tpu.memory_space<hbm>> -> memref<1x1x1x8x128xf32, #tpu.memory_space<hbm>>
      %dma_start3A_81 = tpu.memref_squeeze %dma_start3A_80 : memref<1x1x1x8x128xf32, #tpu.memory_space<hbm>> -> memref<8x128xf32, #tpu.memory_space<hbm>>
      %dma_start3A_82 = arith.constant 0 : i32
      %dma_start3A_83 = arith.constant 0 : i32
      %dma_start3A_84 = tpu.memref_slice %arg4[%add3A_48, %dma_start3A_74, %add3A, %dma_start3A_82, %dma_start3A_83] : memref<200x8x32x8x128xf32, #tpu.memory_space<hbm>> -> memref<1x1x1x8x128xf32, #tpu.memory_space<hbm>>
      %dma_start3A_85 = tpu.memref_squeeze %dma_start3A_84 : memref<1x1x1x8x128xf32, #tpu.memory_space<hbm>> -> memref<8x128xf32, #tpu.memory_space<hbm>>
      %dma_start3A_86 = arith.constant 8 : i32
      %dma_start3A_87 = arith.constant 0 : i32
      %dma_start3A_88 = tpu.memref_slice %arg8[%dma_start3A_86, %dma_start3A_87] : memref<64x129xf32, #tpu.memory_space<vmem>> -> memref<8x128xf32, #tpu.memory_space<vmem>>
      tpu.enqueue_dma source(%dma_start3A_88 : memref<8x128xf32, #tpu.memory_space<vmem>>) target(%dma_start3A_85 : memref<8x128xf32, #tpu.memory_space<hbm>>) target_semaphore(%arg12 : memref<!tpu.dma_semaphore, #tpu.memory_space<semaphore_mem>>)
      %dma_start3A_89 = arith.constant 2 : i32
      %dma_start3A_90 = arith.constant 16 : i32
      %dma_start3A_91 = arith.constant 0 : i32
      %dma_start3A_92 = tpu.memref_slice %arg8[%dma_start3A_90, %dma_start3A_91] : memref<64x129xf32, #tpu.memory_space<vmem>> -> memref<8x128xf32, #tpu.memory_space<vmem>>
      %dma_start3A_93 = arith.constant 0 : i32
      %dma_start3A_94 = arith.constant 0 : i32
      %dma_start3A_95 = tpu.memref_slice %arg4[%add3A_48, %dma_start3A_89, %add3A, %dma_start3A_93, %dma_start3A_94] : memref<200x8x32x8x128xf32, #tpu.memory_space<hbm>> -> memref<1x1x1x8x128xf32, #tpu.memory_space<hbm>>
      %dma_start3A_96 = tpu.memref_squeeze %dma_start3A_95 : memref<1x1x1x8x128xf32, #tpu.memory_space<hbm>> -> memref<8x128xf32, #tpu.memory_space<hbm>>
      %dma_start3A_97 = arith.constant 0 : i32
      %dma_start3A_98 = arith.constant 0 : i32
      %dma_start3A_99 = tpu.memref_slice %arg4[%add3A_48, %dma_start3A_89, %add3A, %dma_start3A_97, %dma_start3A_98] : memref<200x8x32x8x128xf32, #tpu.memory_space<hbm>> -> memref<1x1x1x8x128xf32, #tpu.memory_space<hbm>>
      %dma_start3A_100 = tpu.memref_squeeze %dma_start3A_99 : memref<1x1x1x8x128xf32, #tpu.memory_space<hbm>> -> memref<8x128xf32, #tpu.memory_space<hbm>>
      %dma_start3A_101 = arith.constant 16 : i32
      %dma_start3A_102 = arith.constant 0 : i32
      %dma_start3A_103 = tpu.memref_slice %arg8[%dma_start3A_101, %dma_start3A_102] : memref<64x129xf32, #tpu.memory_space<vmem>> -> memref<8x128xf32, #tpu.memory_space<vmem>>
      tpu.enqueue_dma source(%dma_start3A_103 : memref<8x128xf32, #tpu.memory_space<vmem>>) target(%dma_start3A_100 : memref<8x128xf32, #tpu.memory_space<hbm>>) target_semaphore(%arg12 : memref<!tpu.dma_semaphore, #tpu.memory_space<semaphore_mem>>)
      %dma_start3A_104 = arith.constant 3 : i32
      %dma_start3A_105 = arith.constant 24 : i32
      %dma_start3A_106 = arith.constant 0 : i32
      %dma_start3A_107 = tpu.memref_slice %arg8[%dma_start3A_105, %dma_start3A_106] : memref<64x129xf32, #tpu.memory_space<vmem>> -> memref<8x128xf32, #tpu.memory_space<vmem>>
      %dma_start3A_108 = arith.constant 0 : i32
      %dma_start3A_109 = arith.constant 0 : i32
      %dma_start3A_110 = tpu.memref_slice %arg4[%add3A_48, %dma_start3A_104, %add3A, %dma_start3A_108, %dma_start3A_109] : memref<200x8x32x8x128xf32, #tpu.memory_space<hbm>> -> memref<1x1x1x8x128xf32, #tpu.memory_space<hbm>>
      %dma_start3A_111 = tpu.memref_squeeze %dma_start3A_110 : memref<1x1x1x8x128xf32, #tpu.memory_space<hbm>> -> memref<8x128xf32, #tpu.memory_space<hbm>>
      %dma_start3A_112 = arith.constant 0 : i32
      %dma_start3A_113 = arith.constant 0 : i32
      %dma_start3A_114 = tpu.memref_slice %arg4[%add3A_48, %dma_start3A_104, %add3A, %dma_start3A_112, %dma_start3A_113] : memref<200x8x32x8x128xf32, #tpu.memory_space<hbm>> -> memref<1x1x1x8x128xf32, #tpu.memory_space<hbm>>
      %dma_start3A_115 = tpu.memref_squeeze %dma_start3A_114 : memref<1x1x1x8x128xf32, #tpu.memory_space<hbm>> -> memref<8x128xf32, #tpu.memory_space<hbm>>
      %dma_start3A_116 = arith.constant 24 : i32
      %dma_start3A_117 = arith.constant 0 : i32
      %dma_start3A_118 = tpu.memref_slice %arg8[%dma_start3A_116, %dma_start3A_117] : memref<64x129xf32, #tpu.memory_space<vmem>> -> memref<8x128xf32, #tpu.memory_space<vmem>>
      tpu.enqueue_dma source(%dma_start3A_118 : memref<8x128xf32, #tpu.memory_space<vmem>>) target(%dma_start3A_115 : memref<8x128xf32, #tpu.memory_space<hbm>>) target_semaphore(%arg12 : memref<!tpu.dma_semaphore, #tpu.memory_space<semaphore_mem>>)
      %dma_start3A_119 = arith.constant 4 : i32
      %dma_start3A_120 = arith.constant 32 : i32
      %dma_start3A_121 = arith.constant 0 : i32
      %dma_start3A_122 = tpu.memref_slice %arg8[%dma_start3A_120, %dma_start3A_121] : memref<64x129xf32, #tpu.memory_space<vmem>> -> memref<8x128xf32, #tpu.memory_space<vmem>>
      %dma_start3A_123 = arith.constant 0 : i32
      %dma_start3A_124 = arith.constant 0 : i32
      %dma_start3A_125 = tpu.memref_slice %arg4[%add3A_48, %dma_start3A_119, %add3A, %dma_start3A_123, %dma_start3A_124] : memref<200x8x32x8x128xf32, #tpu.memory_space<hbm>> -> memref<1x1x1x8x128xf32, #tpu.memory_space<hbm>>
      %dma_start3A_126 = tpu.memref_squeeze %dma_start3A_125 : memref<1x1x1x8x128xf32, #tpu.memory_space<hbm>> -> memref<8x128xf32, #tpu.memory_space<hbm>>
      %dma_start3A_127 = arith.constant 0 : i32
      %dma_start3A_128 = arith.constant 0 : i32
      %dma_start3A_129 = tpu.memref_slice %arg4[%add3A_48, %dma_start3A_119, %add3A, %dma_start3A_127, %dma_start3A_128] : memref<200x8x32x8x128xf32, #tpu.memory_space<hbm>> -> memref<1x1x1x8x128xf32, #tpu.memory_space<hbm>>
      %dma_start3A_130 = tpu.memref_squeeze %dma_start3A_129 : memref<1x1x1x8x128xf32, #tpu.memory_space<hbm>> -> memref<8x128xf32, #tpu.memory_space<hbm>>
      %dma_start3A_131 = arith.constant 32 : i32
      %dma_start3A_132 = arith.constant 0 : i32
      %dma_start3A_133 = tpu.memref_slice %arg8[%dma_start3A_131, %dma_start3A_132] : memref<64x129xf32, #tpu.memory_space<vmem>> -> memref<8x128xf32, #tpu.memory_space<vmem>>
      tpu.enqueue_dma source(%dma_start3A_133 : memref<8x128xf32, #tpu.memory_space<vmem>>) target(%dma_start3A_130 : memref<8x128xf32, #tpu.memory_space<hbm>>) target_semaphore(%arg12 : memref<!tpu.dma_semaphore, #tpu.memory_space<semaphore_mem>>)
      %dma_start3A_134 = arith.constant 5 : i32
      %dma_start3A_135 = arith.constant 40 : i32
      %dma_start3A_136 = arith.constant 0 : i32
      %dma_start3A_137 = tpu.memref_slice %arg8[%dma_start3A_135, %dma_start3A_136] : memref<64x129xf32, #tpu.memory_space<vmem>> -> memref<8x128xf32, #tpu.memory_space<vmem>>
      %dma_start3A_138 = arith.constant 0 : i32
      %dma_start3A_139 = arith.constant 0 : i32
      %dma_start3A_140 = tpu.memref_slice %arg4[%add3A_48, %dma_start3A_134, %add3A, %dma_start3A_138, %dma_start3A_139] : memref<200x8x32x8x128xf32, #tpu.memory_space<hbm>> -> memref<1x1x1x8x128xf32, #tpu.memory_space<hbm>>
      %dma_start3A_141 = tpu.memref_squeeze %dma_start3A_140 : memref<1x1x1x8x128xf32, #tpu.memory_space<hbm>> -> memref<8x128xf32, #tpu.memory_space<hbm>>
      %dma_start3A_142 = arith.constant 0 : i32
      %dma_start3A_143 = arith.constant 0 : i32
      %dma_start3A_144 = tpu.memref_slice %arg4[%add3A_48, %dma_start3A_134, %add3A, %dma_start3A_142, %dma_start3A_143] : memref<200x8x32x8x128xf32, #tpu.memory_space<hbm>> -> memref<1x1x1x8x128xf32, #tpu.memory_space<hbm>>
      %dma_start3A_145 = tpu.memref_squeeze %dma_start3A_144 : memref<1x1x1x8x128xf32, #tpu.memory_space<hbm>> -> memref<8x128xf32, #tpu.memory_space<hbm>>
      %dma_start3A_146 = arith.constant 40 : i32
      %dma_start3A_147 = arith.constant 0 : i32
      %dma_start3A_148 = tpu.memref_slice %arg8[%dma_start3A_146, %dma_start3A_147] : memref<64x129xf32, #tpu.memory_space<vmem>> -> memref<8x128xf32, #tpu.memory_space<vmem>>
      tpu.enqueue_dma source(%dma_start3A_148 : memref<8x128xf32, #tpu.memory_space<vmem>>) target(%dma_start3A_145 : memref<8x128xf32, #tpu.memory_space<hbm>>) target_semaphore(%arg12 : memref<!tpu.dma_semaphore, #tpu.memory_space<semaphore_mem>>)
      %dma_start3A_149 = arith.constant 6 : i32
      %dma_start3A_150 = arith.constant 48 : i32
      %dma_start3A_151 = arith.constant 0 : i32
      %dma_start3A_152 = tpu.memref_slice %arg8[%dma_start3A_150, %dma_start3A_151] : memref<64x129xf32, #tpu.memory_space<vmem>> -> memref<8x128xf32, #tpu.memory_space<vmem>>
      %dma_start3A_153 = arith.constant 0 : i32
      %dma_start3A_154 = arith.constant 0 : i32
      %dma_start3A_155 = tpu.memref_slice %arg4[%add3A_48, %dma_start3A_149, %add3A, %dma_start3A_153, %dma_start3A_154] : memref<200x8x32x8x128xf32, #tpu.memory_space<hbm>> -> memref<1x1x1x8x128xf32, #tpu.memory_space<hbm>>
      %dma_start3A_156 = tpu.memref_squeeze %dma_start3A_155 : memref<1x1x1x8x128xf32, #tpu.memory_space<hbm>> -> memref<8x128xf32, #tpu.memory_space<hbm>>
      %dma_start3A_157 = arith.constant 0 : i32
      %dma_start3A_158 = arith.constant 0 : i32
      %dma_start3A_159 = tpu.memref_slice %arg4[%add3A_48, %dma_start3A_149, %add3A, %dma_start3A_157, %dma_start3A_158] : memref<200x8x32x8x128xf32, #tpu.memory_space<hbm>> -> memref<1x1x1x8x128xf32, #tpu.memory_space<hbm>>
      %dma_start3A_160 = tpu.memref_squeeze %dma_start3A_159 : memref<1x1x1x8x128xf32, #tpu.memory_space<hbm>> -> memref<8x128xf32, #tpu.memory_space<hbm>>
      %dma_start3A_161 = arith.constant 48 : i32
      %dma_start3A_162 = arith.constant 0 : i32
      %dma_start3A_163 = tpu.memref_slice %arg8[%dma_start3A_161, %dma_start3A_162] : memref<64x129xf32, #tpu.memory_space<vmem>> -> memref<8x128xf32, #tpu.memory_space<vmem>>
      tpu.enqueue_dma source(%dma_start3A_163 : memref<8x128xf32, #tpu.memory_space<vmem>>) target(%dma_start3A_160 : memref<8x128xf32, #tpu.memory_space<hbm>>) target_semaphore(%arg12 : memref<!tpu.dma_semaphore, #tpu.memory_space<semaphore_mem>>)
      %dma_start3A_164 = arith.constant 7 : i32
      %dma_start3A_165 = arith.constant 56 : i32
      %dma_start3A_166 = arith.constant 0 : i32
      %dma_start3A_167 = tpu.memref_slice %arg8[%dma_start3A_165, %dma_start3A_166] : memref<64x129xf32, #tpu.memory_space<vmem>> -> memref<8x128xf32, #tpu.memory_space<vmem>>
      %dma_start3A_168 = arith.constant 0 : i32
      %dma_start3A_169 = arith.constant 0 : i32
      %dma_start3A_170 = tpu.memref_slice %arg4[%add3A_48, %dma_start3A_164, %add3A, %dma_start3A_168, %dma_start3A_169] : memref<200x8x32x8x128xf32, #tpu.memory_space<hbm>> -> memref<1x1x1x8x128xf32, #tpu.memory_space<hbm>>
      %dma_start3A_171 = tpu.memref_squeeze %dma_start3A_170 : memref<1x1x1x8x128xf32, #tpu.memory_space<hbm>> -> memref<8x128xf32, #tpu.memory_space<hbm>>
      %dma_start3A_172 = arith.constant 0 : i32
      %dma_start3A_173 = arith.constant 0 : i32
      %dma_start3A_174 = tpu.memref_slice %arg4[%add3A_48, %dma_start3A_164, %add3A, %dma_start3A_172, %dma_start3A_173] : memref<200x8x32x8x128xf32, #tpu.memory_space<hbm>> -> memref<1x1x1x8x128xf32, #tpu.memory_space<hbm>>
      %dma_start3A_175 = tpu.memref_squeeze %dma_start3A_174 : memref<1x1x1x8x128xf32, #tpu.memory_space<hbm>> -> memref<8x128xf32, #tpu.memory_space<hbm>>
      %dma_start3A_176 = arith.constant 56 : i32
      %dma_start3A_177 = arith.constant 0 : i32
      %dma_start3A_178 = tpu.memref_slice %arg8[%dma_start3A_176, %dma_start3A_177] : memref<64x129xf32, #tpu.memory_space<vmem>> -> memref<8x128xf32, #tpu.memory_space<vmem>>
      tpu.enqueue_dma source(%dma_start3A_178 : memref<8x128xf32, #tpu.memory_space<vmem>>) target(%dma_start3A_175 : memref<8x128xf32, #tpu.memory_space<hbm>>) target_semaphore(%arg12 : memref<!tpu.dma_semaphore, #tpu.memory_space<semaphore_mem>>)
      %add3A_179 = arith.constant 2 : i32
      %add3A_180 = arith.addi %add3A_48, %add3A_179 : i32
      %lt3A = arith.constant 200 : i32
      %lt3A_181 = arith.cmpi slt, %add3A_180, %lt3A : i32
      %convert_element_type3A_182 = arith.extui %lt3A_181 : i1 to i32
      %cond3A_183 = arith.constant 0 : i32
      %cond3A_184 = arith.cmpi ne, %convert_element_type3A_182, %cond3A_183 : i32
      scf.if %cond3A_184 {
        %add3A_330 = arith.constant 2 : i32
        %add3A_331 = arith.addi %add3A_48, %add3A_330 : i32
        %dma_start3A_332 = arith.constant 0 : i32
        %dma_start3A_333 = tpu.memref_slice %arg5[%add3A_331, %dma_start3A_332] : memref<200x128xi32, #tpu.memory_space<vmem>> -> memref<1x128xi32, #tpu.memory_space<vmem>>
        %dma_start3A_334 = tpu.memref_squeeze %dma_start3A_333 : memref<1x128xi32, #tpu.memory_space<vmem>> -> memref<128xi32, #tpu.memory_space<vmem>>
        %dma_start3A_335 = arith.constant 0 : i32
        %dma_start3A_336 = arith.constant 0 : i32
        %dma_start3A_337 = tpu.memref_slice %arg2[%dma_start3A_335, %dma_start3A_336] : memref<1000000x64xf32, #tpu.memory_space<hbm>> -> memref<1000000x64xf32, #tpu.memory_space<hbm>>
        tpu.enqueue_indirect_dma source(%dma_start3A_337 : memref<1000000x64xf32, #tpu.memory_space<hbm>>) target(%arg6 : memref<128x64xf32, #tpu.memory_space<vmem>>) offsets(%dma_start3A_334 : memref<128xi32, #tpu.memory_space<vmem>>) semaphore(%arg10 : memref<!tpu.dma_semaphore, #tpu.memory_space<semaphore_mem>>)
      } else {
      }
      %mul3A_185 = arith.constant 2 : i32
      %mul3A_186 = arith.muli %mul3A_185, %scan3A_44 : i32
      %add3A_187 = arith.constant 1 : i32
      %add3A_188 = arith.addi %mul3A_186, %add3A_187 : i32
      %dma_wait3A_189 = arith.constant 0 : i32
      %dma_wait3A_190 = arith.constant 0 : i32
      %dma_wait3A_191 = tpu.memref_slice %arg2[%dma_wait3A_189, %dma_wait3A_190] : memref<1000000x64xf32, #tpu.memory_space<hbm>> -> memref<128x64xf32, #tpu.memory_space<hbm>>
      %dma_wait3A_192 = arith.constant 0 : i32
      %dma_wait3A_193 = arith.constant 0 : i32
      %dma_wait3A_194 = tpu.memref_slice %arg2[%dma_wait3A_192, %dma_wait3A_193] : memref<1000000x64xf32, #tpu.memory_space<hbm>> -> memref<128x64xf32, #tpu.memory_space<hbm>>
      tpu.wait_dma2 semaphore(%arg11 : memref<!tpu.dma_semaphore, #tpu.memory_space<semaphore_mem>>) src(%dma_wait3A_194 : memref<128x64xf32, #tpu.memory_space<hbm>>) dst(%arg7 : memref<128x64xf32, #tpu.memory_space<vmem>>)
      %ge3A_195 = arith.constant 1 : i32
      %ge3A_196 = arith.cmpi sge, %scan3A_44, %ge3A_195 : i32
      %convert_element_type3A_197 = arith.extui %ge3A_196 : i1 to i32
      %cond3A_198 = arith.constant 0 : i32
      %cond3A_199 = arith.cmpi ne, %convert_element_type3A_197, %cond3A_198 : i32
      scf.if %cond3A_199 {
        %dma_wait3A_330 = arith.constant 0 : i32
        %dma_wait3A_331 = arith.constant 0 : i32
        %dma_wait3A_332 = tpu.memref_slice %arg2[%dma_wait3A_330, %dma_wait3A_331] : memref<1000000x64xf32, #tpu.memory_space<hbm>> -> memref<128x64xf32, #tpu.memory_space<hbm>>
        %dma_wait3A_333 = arith.constant 0 : i32
        %dma_wait3A_334 = arith.constant 0 : i32
        %dma_wait3A_335 = tpu.memref_slice %arg2[%dma_wait3A_333, %dma_wait3A_334] : memref<1000000x64xf32, #tpu.memory_space<hbm>> -> memref<128x64xf32, #tpu.memory_space<hbm>>
        tpu.wait_dma2 semaphore(%arg13 : memref<!tpu.dma_semaphore, #tpu.memory_space<semaphore_mem>>) src(%dma_wait3A_335 : memref<128x64xf32, #tpu.memory_space<hbm>>) dst(%arg7 : memref<128x64xf32, #tpu.memory_space<vmem>>)
      } else {
      }
      %parallel_loop3A_200 = arith.constant 0 : i32
      %parallel_loop3A_201 = arith.constant 128 : i32
      %parallel_loop3A_202 = arith.constant 1 : i32
      scf.for %parallel_loop3A_330 = %parallel_loop3A_200 to %parallel_loop3A_201 step %parallel_loop3A_202  : i32 {
        %parallel_loop3A_331 = arith.constant 0 : i32
        %parallel_loop3A_332 = vector.broadcast %parallel_loop3A_331 : i32 to vector<16xi32>
        %parallel_loop3A_333 = vector.broadcast %parallel_loop3A_330 : i32 to vector<16xi32>
        %parallel_loop3A_334 = arith.addi %parallel_loop3A_332, %parallel_loop3A_333 : vector<16xi32>
        %parallel_loop3A_335 = arith.index_cast %parallel_loop3A_330 : i32 to index
        %parallel_loop3A_336 = arith.constant 0 : index
        %parallel_loop3A_337 = tpu.vector_load %arg7[%parallel_loop3A_335, %parallel_loop3A_336] {strides = array<i32>} : memref<128x64xf32, #tpu.memory_space<vmem>>, vector<16xf32>,
        %parallel_loop3A_338 = arith.constant 8.000000e+00 : f32
        %parallel_loop3A_339 = vector.broadcast %parallel_loop3A_338 : f32 to vector<16xf32>
        %parallel_loop3A_340 = arith.mulf %parallel_loop3A_337, %parallel_loop3A_339 : vector<16xf32>
        tpu.vector_store_idx %arg9[%add3A_5, %parallel_loop3A_334], %parallel_loop3A_340 : memref<64x129xf32, #tpu.memory_space<vmem>>[vector<16xi32>, vector<16xi32>], vector<16xf32>,
        %parallel_loop3A_341 = arith.index_cast %parallel_loop3A_330 : i32 to index
        %parallel_loop3A_342 = arith.constant 16 : index
        %parallel_loop3A_343 = tpu.vector_load %arg7[%parallel_loop3A_341, %parallel_loop3A_342] {strides = array<i32>} : memref<128x64xf32, #tpu.memory_space<vmem>>, vector<16xf32>,
        %parallel_loop3A_344 = arith.constant 8.000000e+00 : f32
        %parallel_loop3A_345 = vector.broadcast %parallel_loop3A_344 : f32 to vector<16xf32>
        %parallel_loop3A_346 = arith.mulf %parallel_loop3A_343, %parallel_loop3A_345 : vector<16xf32>
        tpu.vector_store_idx %arg9[%add3A_8, %parallel_loop3A_334], %parallel_loop3A_346 : memref<64x129xf32, #tpu.memory_space<vmem>>[vector<16xi32>, vector<16xi32>], vector<16xf32>,
        %parallel_loop3A_347 = arith.index_cast %parallel_loop3A_330 : i32 to index
        %parallel_loop3A_348 = arith.constant 32 : index
        %parallel_loop3A_349 = tpu.vector_load %arg7[%parallel_loop3A_347, %parallel_loop3A_348] {strides = array<i32>} : memref<128x64xf32, #tpu.memory_space<vmem>>, vector<16xf32>,
        %parallel_loop3A_350 = arith.constant 8.000000e+00 : f32
        %parallel_loop3A_351 = vector.broadcast %parallel_loop3A_350 : f32 to vector<16xf32>
        %parallel_loop3A_352 = arith.mulf %parallel_loop3A_349, %parallel_loop3A_351 : vector<16xf32>
        tpu.vector_store_idx %arg9[%add3A_11, %parallel_loop3A_334], %parallel_loop3A_352 : memref<64x129xf32, #tpu.memory_space<vmem>>[vector<16xi32>, vector<16xi32>], vector<16xf32>,
        %parallel_loop3A_353 = arith.index_cast %parallel_loop3A_330 : i32 to index
        %parallel_loop3A_354 = arith.constant 48 : index
        %parallel_loop3A_355 = tpu.vector_load %arg7[%parallel_loop3A_353, %parallel_loop3A_354] {strides = array<i32>} : memref<128x64xf32, #tpu.memory_space<vmem>>, vector<16xf32>,
        %parallel_loop3A_356 = arith.constant 8.000000e+00 : f32
        %parallel_loop3A_357 = vector.broadcast %parallel_loop3A_356 : f32 to vector<16xf32>
        %parallel_loop3A_358 = arith.mulf %parallel_loop3A_355, %parallel_loop3A_357 : vector<16xf32>
        tpu.vector_store_idx %arg9[%add3A_14, %parallel_loop3A_334], %parallel_loop3A_358 : memref<64x129xf32, #tpu.memory_space<vmem>>[vector<16xi32>, vector<16xi32>], vector<16xf32>,
      } {sc.loop_unroll_factor = 4 : i64, sc.parallel_access}
      %dma_start3A_203 = arith.constant 0 : i32
      %dma_start3A_204 = arith.constant 0 : i32
      %dma_start3A_205 = arith.constant 0 : i32
      %dma_start3A_206 = tpu.memref_slice %arg9[%dma_start3A_204, %dma_start3A_205] : memref<64x129xf32, #tpu.memory_space<vmem>> -> memref<8x128xf32, #tpu.memory_space<vmem>>
      %dma_start3A_207 = arith.constant 0 : i32
      %dma_start3A_208 = arith.constant 0 : i32
      %dma_start3A_209 = tpu.memref_slice %arg4[%add3A_188, %dma_start3A_203, %add3A, %dma_start3A_207, %dma_start3A_208] : memref<200x8x32x8x128xf32, #tpu.memory_space<hbm>> -> memref<1x1x1x8x128xf32, #tpu.memory_space<hbm>>
      %dma_start3A_210 = tpu.memref_squeeze %dma_start3A_209 : memref<1x1x1x8x128xf32, #tpu.memory_space<hbm>> -> memref<8x128xf32, #tpu.memory_space<hbm>>
      %dma_start3A_211 = arith.constant 0 : i32
      %dma_start3A_212 = arith.constant 0 : i32
      %dma_start3A_213 = tpu.memref_slice %arg4[%add3A_188, %dma_start3A_203, %add3A, %dma_start3A_211, %dma_start3A_212] : memref<200x8x32x8x128xf32, #tpu.memory_space<hbm>> -> memref<1x1x1x8x128xf32, #tpu.memory_space<hbm>>
      %dma_start3A_214 = tpu.memref_squeeze %dma_start3A_213 : memref<1x1x1x8x128xf32, #tpu.memory_space<hbm>> -> memref<8x128xf32, #tpu.memory_space<hbm>>
      %dma_start3A_215 = arith.constant 0 : i32
      %dma_start3A_216 = arith.constant 0 : i32
      %dma_start3A_217 = tpu.memref_slice %arg9[%dma_start3A_215, %dma_start3A_216] : memref<64x129xf32, #tpu.memory_space<vmem>> -> memref<8x128xf32, #tpu.memory_space<vmem>>
      tpu.enqueue_dma source(%dma_start3A_217 : memref<8x128xf32, #tpu.memory_space<vmem>>) target(%dma_start3A_214 : memref<8x128xf32, #tpu.memory_space<hbm>>) target_semaphore(%arg13 : memref<!tpu.dma_semaphore, #tpu.memory_space<semaphore_mem>>)
      %dma_start3A_218 = arith.constant 1 : i32
      %dma_start3A_219 = arith.constant 8 : i32
      %dma_start3A_220 = arith.constant 0 : i32
      %dma_start3A_221 = tpu.memref_slice %arg9[%dma_start3A_219, %dma_start3A_220] : memref<64x129xf32, #tpu.memory_space<vmem>> -> memref<8x128xf32, #tpu.memory_space<vmem>>
      %dma_start3A_222 = arith.constant 0 : i32
      %dma_start3A_223 = arith.constant 0 : i32
      %dma_start3A_224 = tpu.memref_slice %arg4[%add3A_188, %dma_start3A_218, %add3A, %dma_start3A_222, %dma_start3A_223] : memref<200x8x32x8x128xf32, #tpu.memory_space<hbm>> -> memref<1x1x1x8x128xf32, #tpu.memory_space<hbm>>
      %dma_start3A_225 = tpu.memref_squeeze %dma_start3A_224 : memref<1x1x1x8x128xf32, #tpu.memory_space<hbm>> -> memref<8x128xf32, #tpu.memory_space<hbm>>
      %dma_start3A_226 = arith.constant 0 : i32
      %dma_start3A_227 = arith.constant 0 : i32
      %dma_start3A_228 = tpu.memref_slice %arg4[%add3A_188, %dma_start3A_218, %add3A, %dma_start3A_226, %dma_start3A_227] : memref<200x8x32x8x128xf32, #tpu.memory_space<hbm>> -> memref<1x1x1x8x128xf32, #tpu.memory_space<hbm>>
      %dma_start3A_229 = tpu.memref_squeeze %dma_start3A_228 : memref<1x1x1x8x128xf32, #tpu.memory_space<hbm>> -> memref<8x128xf32, #tpu.memory_space<hbm>>
      %dma_start3A_230 = arith.constant 8 : i32
      %dma_start3A_231 = arith.constant 0 : i32
      %dma_start3A_232 = tpu.memref_slice %arg9[%dma_start3A_230, %dma_start3A_231] : memref<64x129xf32, #tpu.memory_space<vmem>> -> memref<8x128xf32, #tpu.memory_space<vmem>>
      tpu.enqueue_dma source(%dma_start3A_232 : memref<8x128xf32, #tpu.memory_space<vmem>>) target(%dma_start3A_229 : memref<8x128xf32, #tpu.memory_space<hbm>>) target_semaphore(%arg13 : memref<!tpu.dma_semaphore, #tpu.memory_space<semaphore_mem>>)
      %dma_start3A_233 = arith.constant 2 : i32
      %dma_start3A_234 = arith.constant 16 : i32
      %dma_start3A_235 = arith.constant 0 : i32
      %dma_start3A_236 = tpu.memref_slice %arg9[%dma_start3A_234, %dma_start3A_235] : memref<64x129xf32, #tpu.memory_space<vmem>> -> memref<8x128xf32, #tpu.memory_space<vmem>>
      %dma_start3A_237 = arith.constant 0 : i32
      %dma_start3A_238 = arith.constant 0 : i32
      %dma_start3A_239 = tpu.memref_slice %arg4[%add3A_188, %dma_start3A_233, %add3A, %dma_start3A_237, %dma_start3A_238] : memref<200x8x32x8x128xf32, #tpu.memory_space<hbm>> -> memref<1x1x1x8x128xf32, #tpu.memory_space<hbm>>
      %dma_start3A_240 = tpu.memref_squeeze %dma_start3A_239 : memref<1x1x1x8x128xf32, #tpu.memory_space<hbm>> -> memref<8x128xf32, #tpu.memory_space<hbm>>
      %dma_start3A_241 = arith.constant 0 : i32
      %dma_start3A_242 = arith.constant 0 : i32
      %dma_start3A_243 = tpu.memref_slice %arg4[%add3A_188, %dma_start3A_233, %add3A, %dma_start3A_241, %dma_start3A_242] : memref<200x8x32x8x128xf32, #tpu.memory_space<hbm>> -> memref<1x1x1x8x128xf32, #tpu.memory_space<hbm>>
      %dma_start3A_244 = tpu.memref_squeeze %dma_start3A_243 : memref<1x1x1x8x128xf32, #tpu.memory_space<hbm>> -> memref<8x128xf32, #tpu.memory_space<hbm>>
      %dma_start3A_245 = arith.constant 16 : i32
      %dma_start3A_246 = arith.constant 0 : i32
      %dma_start3A_247 = tpu.memref_slice %arg9[%dma_start3A_245, %dma_start3A_246] : memref<64x129xf32, #tpu.memory_space<vmem>> -> memref<8x128xf32, #tpu.memory_space<vmem>>
      tpu.enqueue_dma source(%dma_start3A_247 : memref<8x128xf32, #tpu.memory_space<vmem>>) target(%dma_start3A_244 : memref<8x128xf32, #tpu.memory_space<hbm>>) target_semaphore(%arg13 : memref<!tpu.dma_semaphore, #tpu.memory_space<semaphore_mem>>)
      %dma_start3A_248 = arith.constant 3 : i32
      %dma_start3A_249 = arith.constant 24 : i32
      %dma_start3A_250 = arith.constant 0 : i32
      %dma_start3A_251 = tpu.memref_slice %arg9[%dma_start3A_249, %dma_start3A_250] : memref<64x129xf32, #tpu.memory_space<vmem>> -> memref<8x128xf32, #tpu.memory_space<vmem>>
      %dma_start3A_252 = arith.constant 0 : i32
      %dma_start3A_253 = arith.constant 0 : i32
      %dma_start3A_254 = tpu.memref_slice %arg4[%add3A_188, %dma_start3A_248, %add3A, %dma_start3A_252, %dma_start3A_253] : memref<200x8x32x8x128xf32, #tpu.memory_space<hbm>> -> memref<1x1x1x8x128xf32, #tpu.memory_space<hbm>>
      %dma_start3A_255 = tpu.memref_squeeze %dma_start3A_254 : memref<1x1x1x8x128xf32, #tpu.memory_space<hbm>> -> memref<8x128xf32, #tpu.memory_space<hbm>>
      %dma_start3A_256 = arith.constant 0 : i32
      %dma_start3A_257 = arith.constant 0 : i32
      %dma_start3A_258 = tpu.memref_slice %arg4[%add3A_188, %dma_start3A_248, %add3A, %dma_start3A_256, %dma_start3A_257] : memref<200x8x32x8x128xf32, #tpu.memory_space<hbm>> -> memref<1x1x1x8x128xf32, #tpu.memory_space<hbm>>
      %dma_start3A_259 = tpu.memref_squeeze %dma_start3A_258 : memref<1x1x1x8x128xf32, #tpu.memory_space<hbm>> -> memref<8x128xf32, #tpu.memory_space<hbm>>
      %dma_start3A_260 = arith.constant 24 : i32
      %dma_start3A_261 = arith.constant 0 : i32
      %dma_start3A_262 = tpu.memref_slice %arg9[%dma_start3A_260, %dma_start3A_261] : memref<64x129xf32, #tpu.memory_space<vmem>> -> memref<8x128xf32, #tpu.memory_space<vmem>>
      tpu.enqueue_dma source(%dma_start3A_262 : memref<8x128xf32, #tpu.memory_space<vmem>>) target(%dma_start3A_259 : memref<8x128xf32, #tpu.memory_space<hbm>>) target_semaphore(%arg13 : memref<!tpu.dma_semaphore, #tpu.memory_space<semaphore_mem>>)
      %dma_start3A_263 = arith.constant 4 : i32
      %dma_start3A_264 = arith.constant 32 : i32
      %dma_start3A_265 = arith.constant 0 : i32
      %dma_start3A_266 = tpu.memref_slice %arg9[%dma_start3A_264, %dma_start3A_265] : memref<64x129xf32, #tpu.memory_space<vmem>> -> memref<8x128xf32, #tpu.memory_space<vmem>>
      %dma_start3A_267 = arith.constant 0 : i32
      %dma_start3A_268 = arith.constant 0 : i32
      %dma_start3A_269 = tpu.memref_slice %arg4[%add3A_188, %dma_start3A_263, %add3A, %dma_start3A_267, %dma_start3A_268] : memref<200x8x32x8x128xf32, #tpu.memory_space<hbm>> -> memref<1x1x1x8x128xf32, #tpu.memory_space<hbm>>
      %dma_start3A_270 = tpu.memref_squeeze %dma_start3A_269 : memref<1x1x1x8x128xf32, #tpu.memory_space<hbm>> -> memref<8x128xf32, #tpu.memory_space<hbm>>
      %dma_start3A_271 = arith.constant 0 : i32
      %dma_start3A_272 = arith.constant 0 : i32
      %dma_start3A_273 = tpu.memref_slice %arg4[%add3A_188, %dma_start3A_263, %add3A, %dma_start3A_271, %dma_start3A_272] : memref<200x8x32x8x128xf32, #tpu.memory_space<hbm>> -> memref<1x1x1x8x128xf32, #tpu.memory_space<hbm>>
      %dma_start3A_274 = tpu.memref_squeeze %dma_start3A_273 : memref<1x1x1x8x128xf32, #tpu.memory_space<hbm>> -> memref<8x128xf32, #tpu.memory_space<hbm>>
      %dma_start3A_275 = arith.constant 32 : i32
      %dma_start3A_276 = arith.constant 0 : i32
      %dma_start3A_277 = tpu.memref_slice %arg9[%dma_start3A_275, %dma_start3A_276] : memref<64x129xf32, #tpu.memory_space<vmem>> -> memref<8x128xf32, #tpu.memory_space<vmem>>
      tpu.enqueue_dma source(%dma_start3A_277 : memref<8x128xf32, #tpu.memory_space<vmem>>) target(%dma_start3A_274 : memref<8x128xf32, #tpu.memory_space<hbm>>) target_semaphore(%arg13 : memref<!tpu.dma_semaphore, #tpu.memory_space<semaphore_mem>>)
      %dma_start3A_278 = arith.constant 5 : i32
      %dma_start3A_279 = arith.constant 40 : i32
      %dma_start3A_280 = arith.constant 0 : i32
      %dma_start3A_281 = tpu.memref_slice %arg9[%dma_start3A_279, %dma_start3A_280] : memref<64x129xf32, #tpu.memory_space<vmem>> -> memref<8x128xf32, #tpu.memory_space<vmem>>
      %dma_start3A_282 = arith.constant 0 : i32
      %dma_start3A_283 = arith.constant 0 : i32
      %dma_start3A_284 = tpu.memref_slice %arg4[%add3A_188, %dma_start3A_278, %add3A, %dma_start3A_282, %dma_start3A_283] : memref<200x8x32x8x128xf32, #tpu.memory_space<hbm>> -> memref<1x1x1x8x128xf32, #tpu.memory_space<hbm>>
      %dma_start3A_285 = tpu.memref_squeeze %dma_start3A_284 : memref<1x1x1x8x128xf32, #tpu.memory_space<hbm>> -> memref<8x128xf32, #tpu.memory_space<hbm>>
      %dma_start3A_286 = arith.constant 0 : i32
      %dma_start3A_287 = arith.constant 0 : i32
      %dma_start3A_288 = tpu.memref_slice %arg4[%add3A_188, %dma_start3A_278, %add3A, %dma_start3A_286, %dma_start3A_287] : memref<200x8x32x8x128xf32, #tpu.memory_space<hbm>> -> memref<1x1x1x8x128xf32, #tpu.memory_space<hbm>>
      %dma_start3A_289 = tpu.memref_squeeze %dma_start3A_288 : memref<1x1x1x8x128xf32, #tpu.memory_space<hbm>> -> memref<8x128xf32, #tpu.memory_space<hbm>>
      %dma_start3A_290 = arith.constant 40 : i32
      %dma_start3A_291 = arith.constant 0 : i32
      %dma_start3A_292 = tpu.memref_slice %arg9[%dma_start3A_290, %dma_start3A_291] : memref<64x129xf32, #tpu.memory_space<vmem>> -> memref<8x128xf32, #tpu.memory_space<vmem>>
      tpu.enqueue_dma source(%dma_start3A_292 : memref<8x128xf32, #tpu.memory_space<vmem>>) target(%dma_start3A_289 : memref<8x128xf32, #tpu.memory_space<hbm>>) target_semaphore(%arg13 : memref<!tpu.dma_semaphore, #tpu.memory_space<semaphore_mem>>)
      %dma_start3A_293 = arith.constant 6 : i32
      %dma_start3A_294 = arith.constant 48 : i32
      %dma_start3A_295 = arith.constant 0 : i32
      %dma_start3A_296 = tpu.memref_slice %arg9[%dma_start3A_294, %dma_start3A_295] : memref<64x129xf32, #tpu.memory_space<vmem>> -> memref<8x128xf32, #tpu.memory_space<vmem>>
      %dma_start3A_297 = arith.constant 0 : i32
      %dma_start3A_298 = arith.constant 0 : i32
      %dma_start3A_299 = tpu.memref_slice %arg4[%add3A_188, %dma_start3A_293, %add3A, %dma_start3A_297, %dma_start3A_298] : memref<200x8x32x8x128xf32, #tpu.memory_space<hbm>> -> memref<1x1x1x8x128xf32, #tpu.memory_space<hbm>>
      %dma_start3A_300 = tpu.memref_squeeze %dma_start3A_299 : memref<1x1x1x8x128xf32, #tpu.memory_space<hbm>> -> memref<8x128xf32, #tpu.memory_space<hbm>>
      %dma_start3A_301 = arith.constant 0 : i32
      %dma_start3A_302 = arith.constant 0 : i32
      %dma_start3A_303 = tpu.memref_slice %arg4[%add3A_188, %dma_start3A_293, %add3A, %dma_start3A_301, %dma_start3A_302] : memref<200x8x32x8x128xf32, #tpu.memory_space<hbm>> -> memref<1x1x1x8x128xf32, #tpu.memory_space<hbm>>
      %dma_start3A_304 = tpu.memref_squeeze %dma_start3A_303 : memref<1x1x1x8x128xf32, #tpu.memory_space<hbm>> -> memref<8x128xf32, #tpu.memory_space<hbm>>
      %dma_start3A_305 = arith.constant 48 : i32
      %dma_start3A_306 = arith.constant 0 : i32
      %dma_start3A_307 = tpu.memref_slice %arg9[%dma_start3A_305, %dma_start3A_306] : memref<64x129xf32, #tpu.memory_space<vmem>> -> memref<8x128xf32, #tpu.memory_space<vmem>>
      tpu.enqueue_dma source(%dma_start3A_307 : memref<8x128xf32, #tpu.memory_space<vmem>>) target(%dma_start3A_304 : memref<8x128xf32, #tpu.memory_space<hbm>>) target_semaphore(%arg13 : memref<!tpu.dma_semaphore, #tpu.memory_space<semaphore_mem>>)
      %dma_start3A_308 = arith.constant 7 : i32
      %dma_start3A_309 = arith.constant 56 : i32
      %dma_start3A_310 = arith.constant 0 : i32
      %dma_start3A_311 = tpu.memref_slice %arg9[%dma_start3A_309, %dma_start3A_310] : memref<64x129xf32, #tpu.memory_space<vmem>> -> memref<8x128xf32, #tpu.memory_space<vmem>>
      %dma_start3A_312 = arith.constant 0 : i32
      %dma_start3A_313 = arith.constant 0 : i32
      %dma_start3A_314 = tpu.memref_slice %arg4[%add3A_188, %dma_start3A_308, %add3A, %dma_start3A_312, %dma_start3A_313] : memref<200x8x32x8x128xf32, #tpu.memory_space<hbm>> -> memref<1x1x1x8x128xf32, #tpu.memory_space<hbm>>
      %dma_start3A_315 = tpu.memref_squeeze %dma_start3A_314 : memref<1x1x1x8x128xf32, #tpu.memory_space<hbm>> -> memref<8x128xf32, #tpu.memory_space<hbm>>
      %dma_start3A_316 = arith.constant 0 : i32
      %dma_start3A_317 = arith.constant 0 : i32
      %dma_start3A_318 = tpu.memref_slice %arg4[%add3A_188, %dma_start3A_308, %add3A, %dma_start3A_316, %dma_start3A_317] : memref<200x8x32x8x128xf32, #tpu.memory_space<hbm>> -> memref<1x1x1x8x128xf32, #tpu.memory_space<hbm>>
      %dma_start3A_319 = tpu.memref_squeeze %dma_start3A_318 : memref<1x1x1x8x128xf32, #tpu.memory_space<hbm>> -> memref<8x128xf32, #tpu.memory_space<hbm>>
      %dma_start3A_320 = arith.constant 56 : i32
      %dma_start3A_321 = arith.constant 0 : i32
      %dma_start3A_322 = tpu.memref_slice %arg9[%dma_start3A_320, %dma_start3A_321] : memref<64x129xf32, #tpu.memory_space<vmem>> -> memref<8x128xf32, #tpu.memory_space<vmem>>
      tpu.enqueue_dma source(%dma_start3A_322 : memref<8x128xf32, #tpu.memory_space<vmem>>) target(%dma_start3A_319 : memref<8x128xf32, #tpu.memory_space<hbm>>) target_semaphore(%arg13 : memref<!tpu.dma_semaphore, #tpu.memory_space<semaphore_mem>>)
      %add3A_323 = arith.constant 2 : i32
      %add3A_324 = arith.addi %add3A_188, %add3A_323 : i32
      %lt3A_325 = arith.constant 200 : i32
      %lt3A_326 = arith.cmpi slt, %add3A_324, %lt3A_325 : i32
      %convert_element_type3A_327 = arith.extui %lt3A_326 : i1 to i32
      %cond3A_328 = arith.constant 0 : i32
      %cond3A_329 = arith.cmpi ne, %convert_element_type3A_327, %cond3A_328 : i32
      scf.if %cond3A_329 {
        %add3A_330 = arith.constant 2 : i32
        %add3A_331 = arith.addi %add3A_188, %add3A_330 : i32
        %dma_start3A_332 = arith.constant 0 : i32
        %dma_start3A_333 = tpu.memref_slice %arg5[%add3A_331, %dma_start3A_332] : memref<200x128xi32, #tpu.memory_space<vmem>> -> memref<1x128xi32, #tpu.memory_space<vmem>>
        %dma_start3A_334 = tpu.memref_squeeze %dma_start3A_333 : memref<1x128xi32, #tpu.memory_space<vmem>> -> memref<128xi32, #tpu.memory_space<vmem>>
        %dma_start3A_335 = arith.constant 0 : i32
        %dma_start3A_336 = arith.constant 0 : i32
        %dma_start3A_337 = tpu.memref_slice %arg2[%dma_start3A_335, %dma_start3A_336] : memref<1000000x64xf32, #tpu.memory_space<hbm>> -> memref<1000000x64xf32, #tpu.memory_space<hbm>>
        tpu.enqueue_indirect_dma source(%dma_start3A_337 : memref<1000000x64xf32, #tpu.memory_space<hbm>>) target(%arg7 : memref<128x64xf32, #tpu.memory_space<vmem>>) offsets(%dma_start3A_334 : memref<128xi32, #tpu.memory_space<vmem>>) semaphore(%arg11 : memref<!tpu.dma_semaphore, #tpu.memory_space<semaphore_mem>>)
      } else {
      }
    }
    %scan3A_32 = arith.constant 100 : i32
    %dma_wait3A = arith.constant 0 : i32
    %dma_wait3A_33 = arith.constant 0 : i32
    %dma_wait3A_34 = tpu.memref_slice %arg2[%dma_wait3A, %dma_wait3A_33] : memref<1000000x64xf32, #tpu.memory_space<hbm>> -> memref<128x64xf32, #tpu.memory_space<hbm>>
    %dma_wait3A_35 = arith.constant 0 : i32
    %dma_wait3A_36 = arith.constant 0 : i32
    %dma_wait3A_37 = tpu.memref_slice %arg2[%dma_wait3A_35, %dma_wait3A_36] : memref<1000000x64xf32, #tpu.memory_space<hbm>> -> memref<128x64xf32, #tpu.memory_space<hbm>>
    tpu.wait_dma2 semaphore(%arg12 : memref<!tpu.dma_semaphore, #tpu.memory_space<semaphore_mem>>) src(%dma_wait3A_37 : memref<128x64xf32, #tpu.memory_space<hbm>>) dst(%arg6 : memref<128x64xf32, #tpu.memory_space<vmem>>)
    %dma_wait3A_38 = arith.constant 0 : i32
    %dma_wait3A_39 = arith.constant 0 : i32
    %dma_wait3A_40 = tpu.memref_slice %arg2[%dma_wait3A_38, %dma_wait3A_39] : memref<1000000x64xf32, #tpu.memory_space<hbm>> -> memref<128x64xf32, #tpu.memory_space<hbm>>
    %dma_wait3A_41 = arith.constant 0 : i32
    %dma_wait3A_42 = arith.constant 0 : i32
    %dma_wait3A_43 = tpu.memref_slice %arg2[%dma_wait3A_41, %dma_wait3A_42] : memref<1000000x64xf32, #tpu.memory_space<hbm>> -> memref<128x64xf32, #tpu.memory_space<hbm>>
    tpu.wait_dma2 semaphore(%arg13 : memref<!tpu.dma_semaphore, #tpu.memory_space<semaphore_mem>>) src(%dma_wait3A_43 : memref<128x64xf32, #tpu.memory_space<hbm>>) dst(%arg7 : memref<128x64xf32, #tpu.memory_space<vmem>>)
    return
  }
}

</mosaic_0001>

<sc_bundles>
// kernel: kernel.3.cloned.1.call-start
scs
__scs_entry_jumppad:
0x0: {  	(pc) =	sbr.rel $0x88, $3  }
0x1: {  	(tag) =	ssettag $0x0;
	lr =	simm.s32 $0x1  }
0x2: {  	[smem:$0x3F9F] =	sst lr;
	_ =	strace $0xD0000000  }
0x3: {  	_ = 	snop  }
0x4: {  	_ = 	snop  }
0x5: {  	_ = 	snop  }
0x6: {  	_ = 	snop  }
0x7: {  	_ = 	snop  }
__scs_overlays_trampoline_lowered:
0x8: {  	[smem:$0x3FAE] =	sst s0  }
0x9: {  	[smem:$0x3FAF] =	sst s1  }
0xa: {  	[smem:$0x3FB0] =	sst s2  }
0xb: {  	[smem:$0x3FB1] =	sst s3  }
0xc: {  	[smem:$0x3FB2] =	sst s4  }
0xd: {  	[smem:$0x3FB3] =	sst s5  }
0xe: {  	[smem:$0x3FB4] =	sst s6  }
0xf: {  	[smem:$0x3FB5] =	sst s7  }
0x10: {  	[smem:$0x3FB6] =	sst s8  }
0x11: {  	[smem:$0x3FB7] =	sst s9;
	s0 =	simm.s32 @!p0 $0x0  }
0x12: {  	s1 =	sld [smem:$0x3F9D];
	s0 =	simm.s32 @p0 $0x1  }
0x13: {  	[smem:$0x3FB8] =	sst s0;
	s0 =	simm.s32 @!p1 $0x0  }
0x14: {  	s2 =	sld [smem:$0x3F9C];
	s0 =	simm.s32 @p1 $0x1  }
0x15: {  	[smem:$0x3FB9] =	sst s0;
	s0 =	simm.s32 @!p2 $0x0  }
0x16: {  	s3 =	sld [smem:$0x3FDB];
	s0 =	simm.s32 @p2 $0x1  }
0x17: {  	s4 =	simm.s32 $0x1BF5;
	[smem:$0x3FBB] =	sst s0  }
0x18: {  	s0 =	sld [smem:$0x3F9E];
	_ =	swait.ge [sflag:s4], $0x0  }
0x19: {  	s7 =	sld [smem:$0x3F9F]  }
0x1a: {  	s8 =	sadd.s32 $0xFFFFE003, lr  }
0x1b: {  	s9 =	sadd.s32 $0xFFFFFEF7, lr;
	s5 =	simm.s32 $0xFFFFFFFF;
	p2 =	slt.u32 s8, $0xFFFFF086  }
0x1c: {  	p1 =	slt.u32 s9, $0xF7A;
	s5 =	simm.s32 @!p2 $0x0  }
0x1d: {  	s5 =	simm.s32 @p1 $0x1;
	p0 =	seq.s32 s7, s2  }
0x1e: {  	s7 =	smul.u32 @!p0 $0xF7A, s2;
	p2 =	seq.s32 @!p0 s5, $0x0  }
0x1f: {  	s9 =	smul.u32 $0xF7A, s1;
	s8 =	simm.s32 @!p0 $0x1BF5;
	p2 =	por !p2, p0  }
0x20: {  	[sflag:s8] =	ssyncset.s32 @!p0 $0xFFFFF086;
	s6 =	sadd.s32 @!p0 s3, s7;
	s7 =	simm.s32 @!p0 $0x108  }
0x21: {  	s3 =	sadd.s32 s3, s9;
	s6 =	sadd.s32 @!p0 $0x88, s6;
	s7 =	simm.s32 @p2 $0x1082  }
0x22: {  	[simem:s7], [sflag:s8] =	dma.local @!p0 [hbm:s6], $0xF7A  }
0x23: {  	s9 =	sor.u32 $0xD0000000, s2;
	s6 =	simm.s32 $0x108;
	_ =	swait.ge @!p0 [sflag:s8], $0x0  }
0x24: {  	s3 =	sadd.s32 $0x88, s3;
	s6 =	simm.s32 @!p1 $0x1082;
	[sflag:s4] =	ssyncset.s32 $0xFFFFF086  }
0x25: {  	[simem:s6], [sflag:s4] =	dma.local [hbm:s3], $0xF7A  }
0x26: {  	[smem:$0x3F9F] =	sst s1;
	(tag) =	ssettag s2;
	_ =	strace s9  }
0x27: {  	s1 =	sld [smem:$0x3FAF]  }
0x28: {  	s2 =	sld [smem:$0x3FB0]  }
0x29: {  	s4 =	sld [smem:$0x3FB2]  }
0x2a: {  	p0 =	seq.s32 s5, $0x0;
	s5 =	sld [smem:$0x3FB3]  }
0x2b: {  	s6 =	sld [smem:$0x3FB4]  }
0x2c: {  	s7 =	sld [smem:$0x3FB5]  }
0x2d: {  	s3 =	simm.s32 $0x108;
	s8 =	sld [smem:$0x3FB6]  }
0x2e: {  	s3 =	simm.s32 @!p0 $0x1082;
	s9 =	sld [smem:$0x3FB7]  }
0x2f: {  	lr =	sadd.s32 s0, s3;
	s0 =	sld [smem:$0x3FAE]  }
0x30: {  	s3 =	sld [smem:$0x3FB1]  }
0x31: {  	[smem:$0x3FBA] =	sst s10  }
0x32: {  	s10 =	sld [smem:$0x3FB8];
	_ =	sdelay $0x3  }
0x33: {  	p0 =	seq.s32 s10, $0x1;
	s10 =	sld [smem:$0x3FBA];
	_ =	sdelay $0x3  }
0x34: {  	[smem:$0x3FBA] =	sst s10  }
0x35: {  	s10 =	sld [smem:$0x3FB9];
	_ =	sdelay $0x3  }
0x36: {  	p1 =	seq.s32 s10, $0x1;
	s10 =	sld [smem:$0x3FBA];
	_ =	sdelay $0x3  }
0x37: {  	[smem:$0x3FBA] =	sst s10  }
0x38: {  	s10 =	sld [smem:$0x3FBB]  }
0x39: {  	_ = 	snop;
	(pc) =	sbr.ind lr, $3  }
0x3a: {  	_ = 	snop  }
0x3b: {  	_ = 	snop  }
0x3c: {  	p2 =	seq.s32 s10, $0x1;
	s10 =	sld [smem:$0x3FBA]  }
0x3d: {  	_ =	shalt  }
0x3e: {  	_ =	shalt  }
0x3f: {  	_ =	shalt  }
0x40: {  	_ =	shalt  }
0x41: {  	_ =	shalt  }
0x42: {  	_ =	shalt  }
0x43: {  	_ =	shalt  }
0x44: {  	_ =	shalt  }
0x45: {  	_ =	shalt  }
0x46: {  	_ =	shalt  }
0x47: {  	_ =	shalt  }
0x48: {  	_ =	shalt  }
0x49: {  	_ =	shalt  }
0x4a: {  	_ =	shalt  }
0x4b: {  	_ =	shalt  }
0x4c: {  	_ =	shalt  }
0x4d: {  	_ =	shalt  }
0x4e: {  	_ =	shalt  }
0x4f: {  	_ =	shalt  }
0x50: {  	_ =	shalt  }
0x51: {  	_ =	shalt  }
0x52: {  	_ =	shalt  }
0x53: {  	_ =	shalt  }
0x54: {  	_ =	shalt  }
0x55: {  	_ =	shalt  }
0x56: {  	_ =	shalt  }
0x57: {  	_ =	shalt  }
0x58: {  	_ =	shalt  }
0x59: {  	_ =	shalt  }
0x5a: {  	_ =	shalt  }
0x5b: {  	_ =	shalt  }
0x5c: {  	_ =	shalt  }
0x5d: {  	_ =	shalt  }
0x5e: {  	_ =	shalt  }
0x5f: {  	_ =	shalt  }
0x60: {  	_ =	shalt  }
0x61: {  	_ =	shalt  }
0x62: {  	_ =	shalt  }
0x63: {  	_ =	shalt  }
0x64: {  	_ =	shalt  }
0x65: {  	_ =	shalt  }
0x66: {  	_ =	shalt  }
0x67: {  	_ =	shalt  }
0x68: {  	_ =	shalt  }
0x69: {  	_ =	shalt  }
0x6a: {  	_ =	shalt  }
0x6b: {  	_ =	shalt  }
0x6c: {  	_ =	shalt  }
0x6d: {  	_ =	shalt  }
0x6e: {  	_ =	shalt  }
0x6f: {  	_ =	shalt  }
0x70: {  	_ =	shalt  }
0x71: {  	_ =	shalt  }
0x72: {  	_ =	shalt  }
0x73: {  	_ =	shalt  }
0x74: {  	_ =	shalt  }
0x75: {  	_ =	shalt  }
0x76: {  	_ =	shalt  }
0x77: {  	_ =	shalt  }
0x78: {  	_ =	shalt  }
0x79: {  	_ =	shalt  }
0x7a: {  	_ =	shalt  }
0x7b: {  	_ =	shalt  }
0x7c: {  	_ =	shalt  }
0x7d: {  	_ =	shalt  }
0x7e: {  	_ =	shalt  }
0x7f: {  	_ =	shalt  }
0x80: {  	_ =	shalt  }
0x81: {  	_ =	shalt  }
0x82: {  	_ =	shalt  }
0x83: {  	_ =	shalt  }
0x84: {  	_ =	shalt  }
0x85: {  	_ =	shalt  }
0x86: {  	_ =	shalt  }
0x87: {  	_ =	shalt  }
.Lfunc_end0:
.L_simem_size_0:
called_computation_lowered:
.L_overlay_start_0:
0x88: {  	s2 =	sld [smem:$0x3FD9]  }
0x89: {  	s3 =	sld [smem:$0x3FFE];
	_ =	sdelay $0x1  }
0x8a: {  	s1 =	srdreg.scid  }
0x8b: {  	s0 =	sand.u32 $0x1, s1  }
0x8c: {  	s17 =	sshll.u32 s0, $0xA;
	s2 =	sadd.s32 s3, s2  }
0x8d: {  	s2 =	sadd.s32 s2, s17  }
0x8e: {  	[smem:$0x3FC6] =	sst s2  }
0x8f: {  	_ = 	snop  }
0x90: {  	s2 =	sld [smem:$0x3FD0];
	(tm) =	ssettm $0x1  }
0x91: {  	s18 =	sld [smem:$0x3FFB];
	_ =	sdelay $0x3  }
0x92: {  	_ =	strace s18  }
0x93: {  	s3 =	sld [smem:$0x3FFC];
	_ =	sdelay $0x3  }
0x94: {  	_ =	strace s3  }
0x95: {  	s3 =	sld [smem:$0x3FFD];
	_ =	sdelay $0x3  }
0x96: {  	_ =	strace s3  }
0x97: {  	_ =	strace $0x8FFFFFFF  }
0x98: {  	s19 =	sld [smem:$0x3FDB];
	_ =	sdelay $0x1  }
0x99: {  	s4 =	simm.s32 $_scs_section_size  }
0x9a: {  	s5 =	simm.s32 $_size__tile_overlayer_lowered;
	s6 =	simm.s32 $_tile_overlayer_lowered  }
0x9b: {  	s22 =	simm.s32 $0x1BFF;
	s21 =	sshll.u32 s6, $0x1;
	s3 =	sadd.s32 s4, s19  }
0x9c: {  	s7 =	simm.s32 $0x0;
	s20 =	sshll.u32 s5, $0x1;
	s5 =	sadd.s32 s21, s3  }
0x9d: {  	[timem:s7], [sflag:s22] =	dma.local [hbm:s5], s20  }
0x9e: {  	_ =	swait.ge [sflag:s22], s20  }
0x9f: {  	s4 =	ssub.s32 $0x0, s20;
	[sflag:s22] =	ssyncset.done $0x0  }
0xa0: {  	[sflag:s22] =	ssyncadd.s32 s4;
	_ =	sdelay $0x1  }
0xa1: {  	s23 =	simm.s32 $0x1B8B  }
0xa2: {  	_ =	swait.ge [sflag:s23], $0x1  }
0xa3: {  	[sflag:s23] =	ssyncset.done $0x0  }
0xa4: {  	s25 =	simm.s32 $0x1B8E;
	s24 =	sld [smem:$0x3FFE];
	[sflag:s23] =	ssyncadd.s32 $0xFFFFFFFF  }
0xa5: {  	s26 =	simm.s32 $execute0_lowered;
	[smem:$0x3FD2] =	sst s25  }
0xa6: {  	s5 =	sshll.u32 s26, $0x1;
	_ =	strace $0x80000046;
	[dreg:$0x1] =	wrdreg $0xFFFFFFFF  }
0xa7: {  	s28 =	simm.s32 $_size_execute0_lowered;
	s3 =	sadd.s32 s3, s5;
	[dreg:$0x0] =	wrdreg $0x0  }
0xa8: {  	s5 =	sshll.u32 s28, $0x1;
	[dreg:$0x2] =	wrdreg s3  }
0xa9: {  	[dreg:$0x3] =	wrdreg s5  }
0xaa: {  	[dreg:$0x4] =	wrdreg $0xC0  }
0xab: {  	_ =	task [dreg:s7], $0x5FFFF  }
0xac: {  	[dreg:$0x1] =	wrdreg $0xFFFFFFFF  }
0xad: {  	[dreg:$0x0] =	wrdreg $0x60  }
0xae: {  	[dreg:$0x2] =	wrdreg s24  }
0xaf: {  	[dreg:$0x3] =	wrdreg s2  }
0xb0: {  	[dreg:$0x4] =	wrdreg $0x9  }
0xb1: {  	_ =	task.clear_ibuf [dreg:s7], $0x5FFFF;
	_ =	strace $0x90000046  }
0xb2: {  	s29 =	simm.s32 $0x9;
	_ =	strace $0x80000048  }
0xb3: {  	_ =	swait.ge [sflag:s29], $0x1  }
0xb4: {  	[sflag:s29] =	ssyncadd.s32 $0xFFFFFFFF  }
0xb5: {  	_ =	strace $0x90000048  }
0xb6: {  	_ =	sfence  }
0xb7: {  	s30 =	sld [smem:$0x0];
	_ =	sdelay $0x2  }
0xb8: {  	s31 =	sshll.u32 s1, $0xD;
	s1 =	sshrl.u32 s1, $0x2  }
0xb9: {  	s3 =	sand.u32 $0x4000, s31;
	s1 =	sadd.s32 s1, s30  }
0xba: {  	s0 =	sor.u32 s3, s0;
	s1 =	sshll.u32 s1, $0x11  }
0xbb: {  	s0 =	sor.u32 s1, s0  }
0xbc: {  	s0 =	sadd.s32 $0x8F2B, s0  }
0xbd: {  	[sflag:s0] =	ssyncadd.remote.s32 $0x1  }
0xbe: {  	_ =	sfence.sel $0xFFFF  }
0xbf: {  	[dreg:$0x0] =	wrdreg $0xFFFFFFFF;
	(pc) =	sbr.abs _section_cstart, $3  }
0xc0: {  	[dreg:$0x1] =	wrdreg $0xFFFFFFFF  }
0xc1: {  	_ =	task.clear_ibuf [dreg:s7], $0x2FFFF;
	_ =	strace $0x9FFFFFFF  }
0xc2: {  	(tm) =	ssettm $0x7FFFFFFF  }
0xc3: {  	_ =	shalt  }
tec
execute0_lowered:
.L_overlay_start_1:
0x0: {  	(tag) =	ssettag $0x1  }
0x1: {  	s0 =	rddreg [dreg:$0x0]  }
0x2: {  	s21 =	rddreg [dreg:$0x1]  }
0x3: {  	s1 =	srdreg.scid;
	s2 =	stileid.u32  }
0x4: {  	s3 =	simm.s32 $0x0;
	s29 =	simm.s32 $0x1;
	s30 =	simm.s32 $0xA400  }
0x5: {  	s24 =	simm.s32 $0x2;
	s22 =	simm.s32 $0xC600;
	s1 =	sand.u32 $0x1, s1  }
0x6: {  	s2 =	sshll.u32 s2, $0x1;
	[smem:$0x7FF] =	sst s3;
	s4 =	sadd.s32 $0xF42A00, s0  }
0x7: {  	s7 =	sadd.s32 $0x1000, s21;
	s8 =	sadd.s32 $0x2000, s21;
	s9 =	sadd.s32 $0x3000, s21  }
0x8: {  	s10 =	sadd.s32 $0x4000, s21;
	s11 =	sadd.s32 $0x5000, s21;
	s12 =	sadd.s32 $0x6000, s21  }
0x9: {  	s13 =	sadd.s32 $0x7000, s21;
	s14 =	sadd.s32 $0x8000, s21;
	s15 =	sadd.s32 $0x9000, s21  }
0xa: {  	s16 =	sadd.s32 $0xA000, s21;
	s17 =	sadd.s32 $0xB000, s21;
	s18 =	sadd.s32 $0xC000, s21  }
0xb: {  	s19 =	sadd.s32 $0xD000, s21;
	s20 =	sadd.s32 $0xE000, s21;
	s2 =	sor.u32 s1, s2  }
.Ltmp0:
0xc: {  	s1 =	ssub.s32 $0x2, s1;
	s5 =	sshll.u32 s2, $0x4;
	(pc) =	sbr.rel .LBB2_1-.Ltmp0, $4  }
0xd: {  	v0 =	vlaneseq.u32;
	s21 =	sadd.s32 $0xF000, s21;
	s6 =	sshrl.u32 s1, $0x1;
	s0 =	sadd.s32 s5, s0  }
0xe: {  	v0 =	vmul.u32 $0x88, v0;
	_ =	strace $0x80000047;
	s1 =	ssub.s32 s1, s6;
	s0 =	sadd.s32 $0x600, s0  }
0xf: {  	s6 =	sshll.u32 s2, $0x7;
	s31 =	smax.u32 s1, $0x1;
	[dreg:$0x3] =	wrdreg s0  }
0x10: {  	v1 =	vadd.s32 $0x880, v0;
	v2 =	vadd.s32 $0x1100, v0;
	v3 =	vadd.s32 $0x1980, v0;
	s5 =	simm.s32 $0x4;
	s1 =	simm.s32 $0x0;
	[dreg:$0x4] =	wrdreg s31  }
.LBB2_12:
0x11: {  	s0 =	simm.s32 $0x3  }
0x12: {  	_ =	swait.ge [sflag:s0], $0x2000  }
0x13: {  	[sflag:s0] =	ssyncset.done $0x0  }
0x14: {  	[sflag:s0] =	ssyncadd.s32 $0xFFFFE000  }
0x15: {  	_ =	swait.ge [sflag:s5], $0x2000  }
0x16: {  	s1 =	rddreg [dreg:$0x5]  }
0x17: {  	s31 =	rddreg [dreg:$0x4];
	s1 =	sadd.s32 $0x1, s1  }
0x18: {  	p0 =	sne.s32 s1, s31  }
.Ltmp1:
0x19: {  	_ = 	snop;
	(pc) =	sbr.rel @!p0 .LBB2_13-.Ltmp1, $3  }
0x1a: {  	_ =	sdelay $0x1  }
0x1b: {  	[sflag:s5] =	ssyncset.done $0x0  }
0x1c: {  	[sflag:s5] =	ssyncadd.s32 $0xFFFFE000  }
.LBB2_1:
0x1d: {  	[dreg:$0x5] =	wrdreg s1  }
0x1e: {  	s0 =	rddreg [dreg:$0x3]  }
0x1f: {  	s25 =	simm.s32 $0x80;
	s2 =	simm.s32 $0x1000;
	s26 =	simm.s32 $0x5  }
0x20: {  	[tilespmem:s3], [sflag:$0x5] =	stream.strided.gather [hbm4b:s0+s25], $0x6400, s2, s25, $0x38;
	[tilespmem:$0xE800] =	vst v63  }
0x21: {  	_ =	swait.ge [sflag:s26], $0x6400  }
0x22: {  	[sflag:s26] =	ssyncset.done $0x0  }
0x23: {  	s28 =	simm.s32 $0x6400;
	[sflag:s26] =	ssyncadd.s32 $0xFFFF9C00  }
0x24: {  	[tilespmem:s28], [sflag:$0x1] =	stream.indirect.gather [hbm4b:s4+s25], $0x40, s3, s25, $0xb8;
	[tilespmem:$0xE800] =	vst v63  }
0x25: {  	s31 =	simm.s32 $0x8400  }
0x26: {  	[tilespmem:s31], [sflag:$0x2] =	stream.indirect.gather [hbm4b:s4+s25], $0x40, s25, s25, $0xb8;
	[tilespmem:$0xE800] =	vst v63  }
0x27: {  	s25 =	simm.s32 $0x0  }
.LBB2_2:
0x28: {  	_ =	swait.ge [sflag:s29], $0x2000  }
0x29: {  	p0 =	seq.s32 s25, $0x0;
	[sflag:s29] =	ssyncset.done $0x0  }
0x2a: {  	s0 =	simm.s32 @!p0 $0x3;
	[sflag:s29] =	ssyncadd.s32 $0xFFFFE000  }
0x2b: {  	_ =	swait.ge @!p0 [sflag:s0], $0x2000  }
0x2c: {  	[sflag:s0] =	ssyncset.done @!p0 $0x0  }
0x2d: {  	s1 =	simm.s32 $0x3;
	[sflag:s0] =	ssyncadd.s32 @!p0 $0xFFFFE000;
	s0 =	simm.s32 $0x6480  }
0x2e: {  	v4 =	vmov s1;
	v5 =	vld [tilespmem:s0+$0x40]  }
0x2f: {  	v9 =	vand.u32 $0x7F, v4  }
0x30: {  	s23 =	simm.s32 $0x0;
	v4 =	vadd.s32 v0, v9  }
0x31: {  	s26 =	simm.s32 $0x1;
	s2 =	simm.s32 $0x2;
	v6 =	vmov s23;
	v7 =	vld [tilespmem:s0+$0xFFFFFF80]  }
0x32: {  	v11 =	vmov s2;
	v8 =	vand.u32 $0x7C, v6;
	v6 =	vmov s26;
	v10 =	vld [tilespmem:s0+$0xFFFFFFC0]  }
0x33: {  	v12 =	vadd.s32 v0, v8;
	v15 =	vand.u32 $0x7D, v6;
	v6 =	vld [tilespmem:s0+$0x0];
	v5 =	vmul.f32 $8.000000000e+00, v5  }
0x34: {  	v17 =	vand.u32 $0x7E, v11;
	v13 =	vadd.s32 v0, v15  }
0x35: {  	v11 =	vadd.s32 v0, v17;
	[tilespmem:v4+s30+$0x0] =	vst.idx.msk $0xffff, v5  }
0x36: {  	v4 =	vmul.f32 $8.000000000e+00, v7;
	v5 =	vld [tilespmem:s0+$0x50]  }
0x37: {  	v7 =	vmul.f32 $8.000000000e+00, v10  }
0x38: {  	[tilespmem:v12+s30+$0x0] =	vst.idx.msk $0xffff, v4;
	v4 =	vmul.f32 $8.000000000e+00, v6;
	v6 =	vadd.s32 v1, v9  }
0x39: {  	[tilespmem:v13+s30+$0x0] =	vst.idx.msk $0xffff, v7;
	v10 =	vld [tilespmem:s0+$0xFFFFFF90]  }
0x3a: {  	v7 =	vld [tilespmem:s0+$0xFFFFFFD0];
	[tilespmem:v11+s30+$0x0] =	vst.idx.msk $0xffff, v4  }
0x3b: {  	v11 =	vld [tilespmem:s0+$0x10];
	v4 =	vmul.f32 $8.000000000e+00, v5  }
0x3c: {  	s23 =	simm.s32 $0x4;
	s2 =	simm.s32 $0x6580;
	s26 =	simm.s32 $0x7;
	v12 =	vadd.s32 v1, v15  }
0x3d: {  	v14 =	vld [tilespmem:s2+$0x40];
	v13 =	vadd.s32 v1, v17;
	v5 =	vmov s23;
	[tilespmem:v6+s30+$0x0] =	vst.idx.msk $0xffff, v4;
	v6 =	vmov s26  }
0x3e: {  	v16 =	vadd.s32 v1, v8;
	v4 =	vand.u32 $0x7C, v5;
	v5 =	vand.u32 $0x7F, v6;
	v18 =	vld [tilespmem:s0+$0x60]  }
0x3f: {  	v22 =	vadd.s32 v2, v9;
	v19 =	vld [tilespmem:s2+$0xFFFFFF80];
	s23 =	simm.s32 $0x5;
	v6 =	vmul.f32 $8.000000000e+00, v7;
	v20 =	vadd.s32 v0, v5  }
0x40: {  	v21 =	vld [tilespmem:s2+$0xFFFFFFC0];
	v10 =	vmul.f32 $8.000000000e+00, v10;
	s26 =	simm.s32 $0x6;
	v7 =	vmul.f32 $8.000000000e+00, v11;
	v11 =	vmov s23  }
0x41: {  	v23 =	vadd.s32 v0, v4;
	[tilespmem:v12+s30+$0x0] =	vst.idx.msk $0xffff, v6;
	v12 =	vmov s26;
	v6 =	vand.u32 $0x7D, v11;
	v11 =	vld [tilespmem:s2+$0x0]  }
0x42: {  	[tilespmem:v13+s30+$0x0] =	vst.idx.msk $0xffff, v7;
	v13 =	vadd.s32 v0, v6;
	v7 =	vand.u32 $0x7E, v12;
	v12 =	vmul.f32 $8.000000000e+00, v14;
	v14 =	vld [tilespmem:s0+$0xFFFFFFE0]  }
0x43: {  	[tilespmem:v16+s30+$0x0] =	vst.idx.msk $0xffff, v10;
	v10 =	vadd.s32 v0, v7;
	v16 =	vld [tilespmem:s0+$0x20];
	v18 =	vmul.f32 $8.000000000e+00, v18  }
0x44: {  	v19 =	vmul.f32 $8.000000000e+00, v19;
	[tilespmem:v20+s30+$0x0] =	vst.idx.msk $0xffff, v12;
	v12 =	vld [tilespmem:s0+$0xFFFFFFA0];
	v20 =	vadd.s32 v2, v15  }
0x45: {  	v25 =	vadd.s32 v2, v17;
	v21 =	vmul.f32 $8.000000000e+00, v21;
	v24 =	vld [tilespmem:s2+$0x50];
	[tilespmem:v22+s30+$0x0] =	vst.idx.msk $0xffff, v18  }
0x46: {  	[tilespmem:v23+s30+$0x0] =	vst.idx.msk $0xffff, v19;
	v19 =	vadd.s32 v2, v8;
	v11 =	vmul.f32 $8.000000000e+00, v11;
	v22 =	vld [tilespmem:s0+$0x70]  }
0x47: {  	v23 =	vld [tilespmem:s2+$0xFFFFFF90];
	[tilespmem:v13+s30+$0x0] =	vst.idx.msk $0xffff, v21;
	v21 =	vadd.s32 v1, v5;
	v14 =	vmul.f32 $8.000000000e+00, v14  }
0x48: {  	v27 =	vadd.s32 v3, v9;
	v26 =	vld [tilespmem:s2+$0xFFFFFFD0];
	[tilespmem:v10+s30+$0x0] =	vst.idx.msk $0xffff, v11;
	v10 =	vmul.f32 $8.000000000e+00, v16  }
0x49: {  	v18 =	vadd.s32 v1, v4;
	v13 =	vld [tilespmem:s2+$0x10];
	v9 =	vmul.f32 $8.000000000e+00, v12;
	[tilespmem:v20+s30+$0x0] =	vst.idx.msk $0xffff, v14  }
0x4a: {  	s31 =	simm.s32 $0x8;
	v16 =	vadd.s32 v1, v6;
	[tilespmem:v25+s30+$0x0] =	vst.idx.msk $0xffff, v10;
	v14 =	vmul.f32 $8.000000000e+00, v24;
	v12 =	vld [tilespmem:s0+$0xFFFFFFF0]  }
0x4b: {  	v20 =	vmov s31;
	v10 =	vadd.s32 v1, v7;
	v11 =	vld [tilespmem:s0+$0x30];
	[tilespmem:v19+s30+$0x0] =	vst.idx.msk $0xffff, v9;
	v63 =	vmul.f32 $8.000000000e+00, v22  }
0x4c: {  	s28 =	simm.s32 $0x6680;
	s23 =	simm.s32 $0xB;
	v15 =	vadd.s32 v3, v15;
	v9 =	vand.u32 $0x7C, v20;
	v20 =	vmul.f32 $8.000000000e+00, v23;
	[tilespmem:v21+s30+$0x0] =	vst.idx.msk $0xffff, v14;
	v14 =	vld [tilespmem:s0+$0xFFFFFFB0]  }
0x4d: {  	v17 =	vadd.s32 v3, v17;
	s26 =	sshll.u32 s25, $0xA;
	v22 =	vmov s23;
	v19 =	vld [tilespmem:s28+$0x40];
	s0 =	simm.s32 $0xC;
	v21 =	vmul.f32 $8.000000000e+00, v26;
	[tilespmem:v27+s30+$0x0] =	vst.idx.msk $0xffff, v63  }
.LBB2_3:
0x4e: {  	p1 =	slt.u32 s0, $0x7C;
	s1 =	sadd.s32 $0x1, s31;
	v22 =	vand.u32 $0x7F, v22;
	[tilespmem:v18+s30+$0x0] =	vst.idx.msk $0xffff, v20;
	v13 =	vmul.f32 $8.000000000e+00, v13;
	v18 =	vld [tilespmem:s2+$0x60];
	v20 =	vadd.s32 v3, v8;
	v8 =	vmovc v4  }
0x4f: {  	v4 =	vmovc v9;
	v23 =	vld [tilespmem:s28+$0xFFFFFF80];
	v24 =	vmov s1;
	s1 =	sadd.s32 $0x2, s31;
	v25 =	vadd.s32 v0, v22;
	[tilespmem:v16+s30+$0x0] =	vst.idx.msk $0xffff, v21;
	v12 =	vmul.f32 $8.000000000e+00, v12;
	s31 =	smov.u32 s0  }
0x50: {  	v9 =	vld [tilespmem:s28+$0xFFFFFFC0];
	v16 =	vmov s1;
	[tilespmem:v10+s30+$0x0] =	vst.idx.msk $0xffff, v13;
	v10 =	vadd.s32 v2, v5;
	v11 =	vmul.f32 $8.000000000e+00, v11  }
0x51: {  	v13 =	vadd.s32 v0, v4;
	v21 =	vand.u32 $0x7D, v24;
	v24 =	vld [tilespmem:s28+$0x0];
	v14 =	vmul.f32 $8.000000000e+00, v14;
	[tilespmem:v15+s30+$0x0] =	vst.idx.msk $0xffff, v12  }
0x52: {  	v12 =	vadd.s32 v0, v21;
	v26 =	vand.u32 $0x7E, v16;
	v15 =	vmul.f32 $8.000000000e+00, v19;
	v16 =	vld [tilespmem:s2+$0xFFFFFFE0];
	[tilespmem:v17+s30+$0x0] =	vst.idx.msk $0xffff, v11  }
0x53: {  	v11 =	vadd.s32 v0, v26;
	v17 =	vld [tilespmem:s2+$0x20];
	v18 =	vmul.f32 $8.000000000e+00, v18;
	[tilespmem:v20+s30+$0x0] =	vst.idx.msk $0xffff, v14  }
0x54: {  	v19 =	vadd.s32 v2, v6;
	v14 =	vmul.f32 $8.000000000e+00, v23;
	[tilespmem:v25+s30+$0x0] =	vst.idx.msk $0xffff, v15;
	v15 =	vld [tilespmem:s2+$0xFFFFFFA0]  }
0x55: {  	v23 =	vadd.s32 v2, v7;
	v9 =	vmul.f32 $8.000000000e+00, v9;
	v20 =	vld [tilespmem:s28+$0x50];
	[tilespmem:v10+s30+$0x0] =	vst.idx.msk $0xffff, v18  }
0x56: {  	[tilespmem:v13+s30+$0x0] =	vst.idx.msk $0xffff, v14;
	v10 =	vmul.f32 $8.000000000e+00, v24;
	v14 =	vadd.s32 v2, v8;
	v24 =	vld [tilespmem:s2+$0x70]  }
0x57: {  	v27 =	vadd.s32 v1, v22;
	v25 =	vld [tilespmem:s28+$0xFFFFFF90];
	[tilespmem:v12+s30+$0x0] =	vst.idx.msk $0xffff, v9;
	v9 =	vmul.f32 $8.000000000e+00, v16  }
0x58: {  	v29 =	vadd.s32 v3, v5;
	v5 =	vmov v22;
	v28 =	vld [tilespmem:s28+$0xFFFFFFD0];
	[tilespmem:v11+s30+$0x0] =	vst.idx.msk $0xffff, v10;
	v10 =	vmul.f32 $8.000000000e+00, v17  }
.Ltmp2:
0x59: {  	v18 =	vadd.s32 v1, v4;
	v13 =	vld [tilespmem:s28+$0x10];
	v11 =	vmul.f32 $8.000000000e+00, v15;
	[tilespmem:v19+s30+$0x0] =	vst.idx.msk $0xffff, v9;
	(pc) =	sbr.rel @p1 .LBB2_3-.Ltmp2, $4  }
0x5a: {  	v16 =	vadd.s32 v1, v21;
	v15 =	vmul.f32 $8.000000000e+00, v20;
	v12 =	vld [tilespmem:s2+$0xFFFFFFF0];
	[tilespmem:v23+s30+$0x0] =	vst.idx.msk $0xffff, v10  }
0x5b: {  	v9 =	vmov s0;
	v10 =	vadd.s32 v1, v26;
	[tilespmem:v14+s30+$0x0] =	vst.idx.msk $0xffff, v11;
	v11 =	vld [tilespmem:s2+$0x30];
	v23 =	vmul.f32 $8.000000000e+00, v24  }
0x5c: {  	s1 =	sadd.s32 $0x3, s0;
	v9 =	vand.u32 $0x7C, v9;
	v20 =	vmul.f32 $8.000000000e+00, v25;
	[tilespmem:v27+s30+$0x0] =	vst.idx.msk $0xffff, v15;
	v14 =	vld [tilespmem:s2+$0xFFFFFFB0];
	v15 =	vadd.s32 v3, v6;
	v6 =	vmovc v21;
	s2 =	smov.u32 s28;
	s28 =	sadd.s32 $0x100, s28  }
0x5d: {  	v22 =	vmov s1;
	v17 =	vadd.s32 v3, v7;
	v7 =	vmovc v26;
	s0 =	sadd.s32 $0x4, s0;
	v19 =	vld [tilespmem:s28+$0x40];
	v21 =	vmul.f32 $8.000000000e+00, v28;
	[tilespmem:v29+s30+$0x0] =	vst.idx.msk $0xffff, v23  }
0x5e: {  	s0 =	sadd.s32 $0x1, s31;
	v22 =	vand.u32 $0x7F, v22;
	v28 =	vld [tilespmem:s28+$0xFFFFFF80]  }
0x5f: {  	s1 =	sadd.s32 $0x2, s31;
	v24 =	vld [tilespmem:s28+$0xFFFFFFC0];
	v23 =	vmov s0;
	v25 =	vadd.s32 v0, v22  }
0x60: {  	v27 =	vld [tilespmem:s28+$0x0];
	v51 =	vadd.s32 v0, v9;
	v26 =	vmov s1;
	v23 =	vand.u32 $0x7D, v23  }
0x61: {  	v26 =	vand.u32 $0x7E, v26;
	v29 =	vadd.s32 v0, v23  }
0x62: {  	[tilespmem:v18+s30+$0x0] =	vst.idx.msk $0xffff, v20;
	v30 =	vadd.s32 v0, v26;
	v19 =	vmul.f32 $8.000000000e+00, v19  }
0x63: {  	[tilespmem:v16+s30+$0x0] =	vst.idx.msk $0xffff, v21;
	v54 =	vmul.f32 $8.000000000e+00, v28  }
0x64: {  	v52 =	vmul.f32 $8.000000000e+00, v24;
	[tilespmem:v25+s30+$0x0] =	vst.idx.msk $0xffff, v19  }
0x65: {  	v53 =	vmul.f32 $8.000000000e+00, v27;
	v55 =	vld [tilespmem:s28+$0x50];
	[tilespmem:v51+s30+$0x0] =	vst.idx.msk $0xffff, v54  }
0x66: {  	v13 =	vmul.f32 $8.000000000e+00, v13;
	v8 =	vadd.s32 v3, v8;
	[tilespmem:v29+s30+$0x0] =	vst.idx.msk $0xffff, v52;
	v59 =	vld [tilespmem:s28+$0xFFFFFF90]  }
0x67: {  	v12 =	vmul.f32 $8.000000000e+00, v12;
	v57 =	vadd.s32 v1, v22;
	[tilespmem:v30+s30+$0x0] =	vst.idx.msk $0xffff, v53;
	v56 =	vld [tilespmem:s28+$0xFFFFFFD0]  }
0x68: {  	[tilespmem:v10+s30+$0x0] =	vst.idx.msk $0xffff, v13;
	v58 =	vmul.f32 $8.000000000e+00, v11;
	v28 =	vadd.s32 v1, v9;
	v19 =	vld [tilespmem:s28+$0x10]  }
0x69: {  	v61 =	vld [tilespmem:s2+$0x60];
	v60 =	vadd.s32 v1, v23;
	v14 =	vmul.f32 $8.000000000e+00, v14;
	[tilespmem:v15+s30+$0x0] =	vst.idx.msk $0xffff, v12  }
0x6a: {  	v32 =	vld [tilespmem:s2+$0xFFFFFFA0];
	v62 =	vadd.s32 v1, v26;
	[tilespmem:v17+s30+$0x0] =	vst.idx.msk $0xffff, v58;
	v16 =	vmul.f32 $8.000000000e+00, v55  }
0x6b: {  	[tilespmem:v8+s30+$0x0] =	vst.idx.msk $0xffff, v14;
	v29 =	vadd.s32 v2, v5;
	v30 =	vld [tilespmem:s2+$0x20];
	v11 =	vmul.f32 $8.000000000e+00, v59  }
0x6c: {  	v38 =	vadd.s32 v2, v4;
	v63 =	vld [tilespmem:s2+$0xFFFFFFE0];
	v31 =	vmul.f32 $8.000000000e+00, v56;
	[tilespmem:v57+s30+$0x0] =	vst.idx.msk $0xffff, v16  }
0x6d: {  	v35 =	vadd.s32 v2, v7;
	v34 =	vmul.f32 $8.000000000e+00, v19;
	v36 =	vld [tilespmem:s28+$0x60];
	[tilespmem:v28+s30+$0x0] =	vst.idx.msk $0xffff, v11  }
0x6e: {  	v33 =	vadd.s32 v2, v6;
	v37 =	vmul.f32 $8.000000000e+00, v61;
	[tilespmem:v60+s30+$0x0] =	vst.idx.msk $0xffff, v31;
	v43 =	vld [tilespmem:s28+$0xFFFFFFA0]  }
0x6f: {  	v40 =	vadd.s32 v2, v22;
	v14 =	vmul.f32 $8.000000000e+00, v32;
	[tilespmem:v62+s30+$0x0] =	vst.idx.msk $0xffff, v34;
	v39 =	vld [tilespmem:s28+$0xFFFFFFE0]  }
0x70: {  	v48 =	vadd.s32 v2, v9;
	[tilespmem:v29+s30+$0x0] =	vst.idx.msk $0xffff, v37;
	v42 =	vmul.f32 $8.000000000e+00, v30;
	v41 =	vld [tilespmem:s28+$0x20]  }
0x71: {  	v44 =	vadd.s32 v2, v23;
	v15 =	vmul.f32 $8.000000000e+00, v63;
	[tilespmem:v38+s30+$0x0] =	vst.idx.msk $0xffff, v14;
	v45 =	vld [tilespmem:s2+$0x70]  }
0x72: {  	v46 =	vadd.s32 v2, v26;
	v14 =	vld [tilespmem:s2+$0xFFFFFFB0];
	[tilespmem:v35+s30+$0x0] =	vst.idx.msk $0xffff, v42;
	v47 =	vmul.f32 $8.000000000e+00, v36  }
0x73: {  	v5 =	vadd.s32 v3, v5;
	[tilespmem:v33+s30+$0x0] =	vst.idx.msk $0xffff, v15;
	v49 =	vld [tilespmem:s2+$0x30];
	v53 =	vmul.f32 $8.000000000e+00, v43  }
0x74: {  	v4 =	vadd.s32 v3, v4;
	v21 =	vld [tilespmem:s2+$0xFFFFFFF0];
	v12 =	vmul.f32 $8.000000000e+00, v39;
	[tilespmem:v40+s30+$0x0] =	vst.idx.msk $0xffff, v47  }
0x75: {  	v52 =	vadd.s32 v3, v7;
	v51 =	vmul.f32 $8.000000000e+00, v41;
	v10 =	vld [tilespmem:s28+$0x70];
	[tilespmem:v48+s30+$0x0] =	vst.idx.msk $0xffff, v53  }
0x76: {  	v50 =	vadd.s32 v3, v6;
	v54 =	vmul.f32 $8.000000000e+00, v45;
	[tilespmem:v44+s30+$0x0] =	vst.idx.msk $0xffff, v12;
	v59 =	vld [tilespmem:s28+$0xFFFFFFB0]  }
0x77: {  	v57 =	vadd.s32 v3, v22;
	v14 =	vmul.f32 $8.000000000e+00, v14;
	[tilespmem:v46+s30+$0x0] =	vst.idx.msk $0xffff, v51;
	v55 =	vld [tilespmem:s28+$0xFFFFFFF0]  }
0x78: {  	v62 =	vadd.s32 v3, v9;
	[tilespmem:v5+s30+$0x0] =	vst.idx.msk $0xffff, v54;
	v5 =	vmul.f32 $8.000000000e+00, v49;
	v58 =	vld [tilespmem:s28+$0x30]  }
0x79: {  	v56 =	vmul.f32 $8.000000000e+00, v21;
	v60 =	vadd.s32 v3, v23;
	[tilespmem:v4+s30+$0x0] =	vst.idx.msk $0xffff, v14  }
0x7a: {  	v61 =	vadd.s32 v3, v26;
	[tilespmem:v52+s30+$0x0] =	vst.idx.msk $0xffff, v5;
	v5 =	vmul.f32 $8.000000000e+00, v10  }
0x7b: {  	[tilespmem:v50+s30+$0x0] =	vst.idx.msk $0xffff, v56;
	v63 =	vmul.f32 $8.000000000e+00, v59  }
0x7c: {  	v4 =	vmul.f32 $8.000000000e+00, v55;
	[tilespmem:v57+s30+$0x0] =	vst.idx.msk $0xffff, v5  }
0x7d: {  	s2 =	sshll.u32 s25, $0x10;
	v5 =	vmul.f32 $8.000000000e+00, v58;
	[tilespmem:v62+s30+$0x0] =	vst.idx.msk $0xffff, v63  }
0x7e: {  	s23 =	rddreg [dreg:$0x1];
	s2 =	sor.u32 s6, s2;
	[tilespmem:v60+s30+$0x0] =	vst.idx.msk $0xffff, v4  }
0x7f: {  	s0 =	sadd.s32 s23, s2;
	[tilespmem:v61+s30+$0x0] =	vst.idx.msk $0xffff, v5  }
0x80: {  	[hbm4b:s0+s3] =	stream.linear.scatter [tilespmem:s30], [sflag:$0x3], $0x80, $0x38;
	[tilespmem:$0xE800] =	vst v63  }
0x81: {  	s23 =	simm.s32 $0xA488;
	s1 =	sadd.s32 $0x10, s0  }
0x82: {  	[hbm4b:s1+s3] =	stream.linear.scatter [tilespmem:s23], [sflag:$0x3], $0x80, $0x38;
	[tilespmem:$0xE800] =	vst v63  }
0x83: {  	s31 =	simm.s32 $0xA510;
	s28 =	sadd.s32 $0x20, s0  }
0x84: {  	[hbm4b:s28+s3] =	stream.linear.scatter [tilespmem:s31], [sflag:$0x3], $0x80, $0x38;
	[tilespmem:$0xE800] =	vst v63  }
0x85: {  	s28 =	sadd.s32 $0x30, s0;
	s31 =	simm.s32 $0xA598  }
0x86: {  	[hbm4b:s28+s3] =	stream.linear.scatter [tilespmem:s31], [sflag:$0x3], $0x80, $0x38;
	[tilespmem:$0xE800] =	vst v63  }
0x87: {  	s28 =	sadd.s32 $0x40, s0;
	s31 =	simm.s32 $0xA620  }
0x88: {  	[hbm4b:s28+s3] =	stream.linear.scatter [tilespmem:s31], [sflag:$0x3], $0x80, $0x38;
	[tilespmem:$0xE800] =	vst v63  }
0x89: {  	s28 =	sadd.s32 $0x50, s0;
	s31 =	simm.s32 $0xA6A8  }
0x8a: {  	[hbm4b:s28+s3] =	stream.linear.scatter [tilespmem:s31], [sflag:$0x3], $0x80, $0x38;
	[tilespmem:$0xE800] =	vst v63  }
0x8b: {  	s23 =	sadd.s32 $0x60, s0;
	s28 =	simm.s32 $0xA730  }
0x8c: {  	[hbm4b:s23+s3] =	stream.linear.scatter [tilespmem:s28], [sflag:$0x3], $0x80, $0x38;
	[tilespmem:$0xE800] =	vst v63  }
0x8d: {  	s0 =	sadd.s32 $0x70, s0;
	s31 =	simm.s32 $0xA7B8  }
0x8e: {  	[hbm4b:s0+s3] =	stream.linear.scatter [tilespmem:s31], [sflag:$0x3], $0x80, $0x38;
	[tilespmem:$0xE800] =	vst v63  }
0x8f: {  	s23 =	simm.s32 $0xA840;
	s0 =	sadd.s32 s2, s7  }
0x90: {  	[hbm4b:s0+s3] =	stream.linear.scatter [tilespmem:s23], [sflag:$0x3], $0x80, $0x38;
	[tilespmem:$0xE800] =	vst v63  }
0x91: {  	s31 =	simm.s32 $0xA8C8;
	s28 =	sadd.s32 $0x10, s0  }
0x92: {  	[hbm4b:s28+s3] =	stream.linear.scatter [tilespmem:s31], [sflag:$0x3], $0x80, $0x38;
	[tilespmem:$0xE800] =	vst v63  }
0x93: {  	s28 =	sadd.s32 $0x20, s0;
	s31 =	simm.s32 $0xA950  }
0x94: {  	[hbm4b:s28+s3] =	stream.linear.scatter [tilespmem:s31], [sflag:$0x3], $0x80, $0x38;
	[tilespmem:$0xE800] =	vst v63  }
0x95: {  	s28 =	sadd.s32 $0x30, s0;
	s31 =	simm.s32 $0xA9D8  }
0x96: {  	[hbm4b:s28+s3] =	stream.linear.scatter [tilespmem:s31], [sflag:$0x3], $0x80, $0x38;
	[tilespmem:$0xE800] =	vst v63  }
0x97: {  	s28 =	sadd.s32 $0x40, s0;
	s31 =	simm.s32 $0xAA60  }
0x98: {  	[hbm4b:s28+s3] =	stream.linear.scatter [tilespmem:s31], [sflag:$0x3], $0x80, $0x38;
	[tilespmem:$0xE800] =	vst v63  }
0x99: {  	s28 =	sadd.s32 $0x50, s0;
	s31 =	simm.s32 $0xAAE8  }
0x9a: {  	[hbm4b:s28+s3] =	stream.linear.scatter [tilespmem:s31], [sflag:$0x3], $0x80, $0x38;
	[tilespmem:$0xE800] =	vst v63  }
0x9b: {  	s23 =	sadd.s32 $0x60, s0;
	s28 =	simm.s32 $0xAB70  }
0x9c: {  	[hbm4b:s23+s3] =	stream.linear.scatter [tilespmem:s28], [sflag:$0x3], $0x80, $0x38;
	[tilespmem:$0xE800] =	vst v63  }
0x9d: {  	s0 =	sadd.s32 $0x70, s0;
	s31 =	simm.s32 $0xABF8  }
0x9e: {  	[hbm4b:s0+s3] =	stream.linear.scatter [tilespmem:s31], [sflag:$0x3], $0x80, $0x38;
	[tilespmem:$0xE800] =	vst v63  }
0x9f: {  	s23 =	simm.s32 $0xAC80;
	s0 =	sadd.s32 s2, s8  }
0xa0: {  	[hbm4b:s0+s3] =	stream.linear.scatter [tilespmem:s23], [sflag:$0x3], $0x80, $0x38;
	[tilespmem:$0xE800] =	vst v63  }
0xa1: {  	s31 =	simm.s32 $0xAD08;
	s28 =	sadd.s32 $0x10, s0  }
0xa2: {  	[hbm4b:s28+s3] =	stream.linear.scatter [tilespmem:s31], [sflag:$0x3], $0x80, $0x38;
	[tilespmem:$0xE800] =	vst v63  }
0xa3: {  	s28 =	sadd.s32 $0x20, s0;
	s31 =	simm.s32 $0xAD90  }
0xa4: {  	[hbm4b:s28+s3] =	stream.linear.scatter [tilespmem:s31], [sflag:$0x3], $0x80, $0x38;
	[tilespmem:$0xE800] =	vst v63  }
0xa5: {  	s28 =	sadd.s32 $0x30, s0;
	s31 =	simm.s32 $0xAE18  }
0xa6: {  	[hbm4b:s28+s3] =	stream.linear.scatter [tilespmem:s31], [sflag:$0x3], $0x80, $0x38;
	[tilespmem:$0xE800] =	vst v63  }
0xa7: {  	s28 =	sadd.s32 $0x40, s0;
	s31 =	simm.s32 $0xAEA0  }
0xa8: {  	[hbm4b:s28+s3] =	stream.linear.scatter [tilespmem:s31], [sflag:$0x3], $0x80, $0x38;
	[tilespmem:$0xE800] =	vst v63  }
0xa9: {  	s28 =	sadd.s32 $0x50, s0;
	s31 =	simm.s32 $0xAF28  }
0xaa: {  	[hbm4b:s28+s3] =	stream.linear.scatter [tilespmem:s31], [sflag:$0x3], $0x80, $0x38;
	[tilespmem:$0xE800] =	vst v63  }
0xab: {  	s23 =	sadd.s32 $0x60, s0;
	s28 =	simm.s32 $0xAFB0  }
0xac: {  	[hbm4b:s23+s3] =	stream.linear.scatter [tilespmem:s28], [sflag:$0x3], $0x80, $0x38;
	[tilespmem:$0xE800] =	vst v63  }
0xad: {  	s0 =	sadd.s32 $0x70, s0;
	s31 =	simm.s32 $0xB038  }
0xae: {  	[hbm4b:s0+s3] =	stream.linear.scatter [tilespmem:s31], [sflag:$0x3], $0x80, $0x38;
	[tilespmem:$0xE800] =	vst v63  }
0xaf: {  	s23 =	simm.s32 $0xB0C0;
	s0 =	sadd.s32 s2, s9  }
0xb0: {  	[hbm4b:s0+s3] =	stream.linear.scatter [tilespmem:s23], [sflag:$0x3], $0x80, $0x38;
	[tilespmem:$0xE800] =	vst v63  }
0xb1: {  	s31 =	simm.s32 $0xB148;
	s28 =	sadd.s32 $0x10, s0  }
0xb2: {  	[hbm4b:s28+s3] =	stream.linear.scatter [tilespmem:s31], [sflag:$0x3], $0x80, $0x38;
	[tilespmem:$0xE800] =	vst v63  }
0xb3: {  	s28 =	sadd.s32 $0x20, s0;
	s31 =	simm.s32 $0xB1D0  }
0xb4: {  	[hbm4b:s28+s3] =	stream.linear.scatter [tilespmem:s31], [sflag:$0x3], $0x80, $0x38;
	[tilespmem:$0xE800] =	vst v63  }
0xb5: {  	s28 =	sadd.s32 $0x30, s0;
	s31 =	simm.s32 $0xB258  }
0xb6: {  	[hbm4b:s28+s3] =	stream.linear.scatter [tilespmem:s31], [sflag:$0x3], $0x80, $0x38;
	[tilespmem:$0xE800] =	vst v63  }
0xb7: {  	s28 =	sadd.s32 $0x40, s0;
	s31 =	simm.s32 $0xB2E0  }
0xb8: {  	[hbm4b:s28+s3] =	stream.linear.scatter [tilespmem:s31], [sflag:$0x3], $0x80, $0x38;
	[tilespmem:$0xE800] =	vst v63  }
0xb9: {  	s28 =	sadd.s32 $0x50, s0;
	s31 =	simm.s32 $0xB368  }
0xba: {  	[hbm4b:s28+s3] =	stream.linear.scatter [tilespmem:s31], [sflag:$0x3], $0x80, $0x38;
	[tilespmem:$0xE800] =	vst v63  }
0xbb: {  	s23 =	sadd.s32 $0x60, s0;
	s28 =	simm.s32 $0xB3F0  }
0xbc: {  	[hbm4b:s23+s3] =	stream.linear.scatter [tilespmem:s28], [sflag:$0x3], $0x80, $0x38;
	[tilespmem:$0xE800] =	vst v63  }
0xbd: {  	s0 =	sadd.s32 $0x70, s0;
	s31 =	simm.s32 $0xB478  }
0xbe: {  	[hbm4b:s0+s3] =	stream.linear.scatter [tilespmem:s31], [sflag:$0x3], $0x80, $0x38;
	[tilespmem:$0xE800] =	vst v63  }
0xbf: {  	s23 =	simm.s32 $0xB500;
	s0 =	sadd.s32 s2, s10  }
0xc0: {  	[hbm4b:s0+s3] =	stream.linear.scatter [tilespmem:s23], [sflag:$0x3], $0x80, $0x38;
	[tilespmem:$0xE800] =	vst v63  }
0xc1: {  	s31 =	simm.s32 $0xB588;
	s28 =	sadd.s32 $0x10, s0  }
0xc2: {  	[hbm4b:s28+s3] =	stream.linear.scatter [tilespmem:s31], [sflag:$0x3], $0x80, $0x38;
	[tilespmem:$0xE800] =	vst v63  }
0xc3: {  	s28 =	sadd.s32 $0x20, s0;
	s31 =	simm.s32 $0xB610  }
0xc4: {  	[hbm4b:s28+s3] =	stream.linear.scatter [tilespmem:s31], [sflag:$0x3], $0x80, $0x38;
	[tilespmem:$0xE800] =	vst v63  }
0xc5: {  	s28 =	sadd.s32 $0x30, s0;
	s31 =	simm.s32 $0xB698  }
0xc6: {  	[hbm4b:s28+s3] =	stream.linear.scatter [tilespmem:s31], [sflag:$0x3], $0x80, $0x38;
	[tilespmem:$0xE800] =	vst v63  }
0xc7: {  	s28 =	sadd.s32 $0x40, s0;
	s31 =	simm.s32 $0xB720  }
0xc8: {  	[hbm4b:s28+s3] =	stream.linear.scatter [tilespmem:s31], [sflag:$0x3], $0x80, $0x38;
	[tilespmem:$0xE800] =	vst v63  }
0xc9: {  	s28 =	sadd.s32 $0x50, s0;
	s31 =	simm.s32 $0xB7A8  }
0xca: {  	[hbm4b:s28+s3] =	stream.linear.scatter [tilespmem:s31], [sflag:$0x3], $0x80, $0x38;
	[tilespmem:$0xE800] =	vst v63  }
0xcb: {  	s23 =	sadd.s32 $0x60, s0;
	s28 =	simm.s32 $0xB830  }
0xcc: {  	[hbm4b:s23+s3] =	stream.linear.scatter [tilespmem:s28], [sflag:$0x3], $0x80, $0x38;
	[tilespmem:$0xE800] =	vst v63  }
0xcd: {  	s0 =	sadd.s32 $0x70, s0;
	s31 =	simm.s32 $0xB8B8  }
0xce: {  	[hbm4b:s0+s3] =	stream.linear.scatter [tilespmem:s31], [sflag:$0x3], $0x80, $0x38;
	[tilespmem:$0xE800] =	vst v63  }
0xcf: {  	s23 =	simm.s32 $0xB940;
	s0 =	sadd.s32 s2, s11  }
0xd0: {  	[hbm4b:s0+s3] =	stream.linear.scatter [tilespmem:s23], [sflag:$0x3], $0x80, $0x38;
	[tilespmem:$0xE800] =	vst v63  }
0xd1: {  	s31 =	simm.s32 $0xB9C8;
	s28 =	sadd.s32 $0x10, s0  }
0xd2: {  	[hbm4b:s28+s3] =	stream.linear.scatter [tilespmem:s31], [sflag:$0x3], $0x80, $0x38;
	[tilespmem:$0xE800] =	vst v63  }
0xd3: {  	s28 =	sadd.s32 $0x20, s0;
	s31 =	simm.s32 $0xBA50  }
0xd4: {  	[hbm4b:s28+s3] =	stream.linear.scatter [tilespmem:s31], [sflag:$0x3], $0x80, $0x38;
	[tilespmem:$0xE800] =	vst v63  }
0xd5: {  	s28 =	sadd.s32 $0x30, s0;
	s31 =	simm.s32 $0xBAD8  }
0xd6: {  	[hbm4b:s28+s3] =	stream.linear.scatter [tilespmem:s31], [sflag:$0x3], $0x80, $0x38;
	[tilespmem:$0xE800] =	vst v63  }
0xd7: {  	s28 =	sadd.s32 $0x40, s0;
	s31 =	simm.s32 $0xBB60  }
0xd8: {  	[hbm4b:s28+s3] =	stream.linear.scatter [tilespmem:s31], [sflag:$0x3], $0x80, $0x38;
	[tilespmem:$0xE800] =	vst v63  }
0xd9: {  	s28 =	sadd.s32 $0x50, s0;
	s31 =	simm.s32 $0xBBE8  }
0xda: {  	[hbm4b:s28+s3] =	stream.linear.scatter [tilespmem:s31], [sflag:$0x3], $0x80, $0x38;
	[tilespmem:$0xE800] =	vst v63  }
0xdb: {  	s23 =	sadd.s32 $0x60, s0;
	s28 =	simm.s32 $0xBC70  }
0xdc: {  	[hbm4b:s23+s3] =	stream.linear.scatter [tilespmem:s28], [sflag:$0x3], $0x80, $0x38;
	[tilespmem:$0xE800] =	vst v63  }
0xdd: {  	s0 =	sadd.s32 $0x70, s0;
	s31 =	simm.s32 $0xBCF8  }
0xde: {  	[hbm4b:s0+s3] =	stream.linear.scatter [tilespmem:s31], [sflag:$0x3], $0x80, $0x38;
	[tilespmem:$0xE800] =	vst v63  }
0xdf: {  	s23 =	simm.s32 $0xBD80;
	s0 =	sadd.s32 s2, s12  }
0xe0: {  	[hbm4b:s0+s3] =	stream.linear.scatter [tilespmem:s23], [sflag:$0x3], $0x80, $0x38;
	[tilespmem:$0xE800] =	vst v63  }
0xe1: {  	s31 =	simm.s32 $0xBE08;
	s28 =	sadd.s32 $0x10, s0  }
0xe2: {  	[hbm4b:s28+s3] =	stream.linear.scatter [tilespmem:s31], [sflag:$0x3], $0x80, $0x38;
	[tilespmem:$0xE800] =	vst v63  }
0xe3: {  	s28 =	sadd.s32 $0x20, s0;
	s31 =	simm.s32 $0xBE90  }
0xe4: {  	[hbm4b:s28+s3] =	stream.linear.scatter [tilespmem:s31], [sflag:$0x3], $0x80, $0x38;
	[tilespmem:$0xE800] =	vst v63  }
0xe5: {  	s28 =	sadd.s32 $0x30, s0;
	s31 =	simm.s32 $0xBF18  }
0xe6: {  	[hbm4b:s28+s3] =	stream.linear.scatter [tilespmem:s31], [sflag:$0x3], $0x80, $0x38;
	[tilespmem:$0xE800] =	vst v63  }
0xe7: {  	s28 =	sadd.s32 $0x40, s0;
	s31 =	simm.s32 $0xBFA0  }
0xe8: {  	[hbm4b:s28+s3] =	stream.linear.scatter [tilespmem:s31], [sflag:$0x3], $0x80, $0x38;
	[tilespmem:$0xE800] =	vst v63  }
0xe9: {  	s28 =	sadd.s32 $0x50, s0;
	s31 =	simm.s32 $0xC028  }
0xea: {  	[hbm4b:s28+s3] =	stream.linear.scatter [tilespmem:s31], [sflag:$0x3], $0x80, $0x38;
	[tilespmem:$0xE800] =	vst v63  }
0xeb: {  	s23 =	sadd.s32 $0x60, s0;
	s28 =	simm.s32 $0xC0B0  }
0xec: {  	[hbm4b:s23+s3] =	stream.linear.scatter [tilespmem:s28], [sflag:$0x3], $0x80, $0x38;
	[tilespmem:$0xE800] =	vst v63  }
0xed: {  	s0 =	sadd.s32 $0x70, s0;
	s31 =	simm.s32 $0xC138  }
0xee: {  	[hbm4b:s0+s3] =	stream.linear.scatter [tilespmem:s31], [sflag:$0x3], $0x80, $0x38;
	[tilespmem:$0xE800] =	vst v63  }
0xef: {  	s23 =	simm.s32 $0xC1C0;
	s0 =	sadd.s32 s2, s13  }
0xf0: {  	[hbm4b:s0+s3] =	stream.linear.scatter [tilespmem:s23], [sflag:$0x3], $0x80, $0x38;
	[tilespmem:$0xE800] =	vst v63  }
0xf1: {  	s31 =	simm.s32 $0xC248;
	s28 =	sadd.s32 $0x10, s0  }
0xf2: {  	[hbm4b:s28+s3] =	stream.linear.scatter [tilespmem:s31], [sflag:$0x3], $0x80, $0x38;
	[tilespmem:$0xE800] =	vst v63  }
0xf3: {  	s28 =	sadd.s32 $0x20, s0;
	s31 =	simm.s32 $0xC2D0  }
0xf4: {  	[hbm4b:s28+s3] =	stream.linear.scatter [tilespmem:s31], [sflag:$0x3], $0x80, $0x38;
	[tilespmem:$0xE800] =	vst v63  }
0xf5: {  	s28 =	sadd.s32 $0x30, s0;
	s31 =	simm.s32 $0xC358  }
0xf6: {  	[hbm4b:s28+s3] =	stream.linear.scatter [tilespmem:s31], [sflag:$0x3], $0x80, $0x38;
	[tilespmem:$0xE800] =	vst v63  }
0xf7: {  	s28 =	sadd.s32 $0x40, s0;
	s31 =	simm.s32 $0xC3E0  }
0xf8: {  	[hbm4b:s28+s3] =	stream.linear.scatter [tilespmem:s31], [sflag:$0x3], $0x80, $0x38;
	[tilespmem:$0xE800] =	vst v63  }
0xf9: {  	p1 =	sne.s32 s25, $0x63;
	s28 =	sadd.s32 $0x50, s0;
	s31 =	simm.s32 $0xC468  }
0xfa: {  	[hbm4b:s28+s3] =	stream.linear.scatter [tilespmem:s31], [sflag:$0x3], $0x80, $0x38;
	[tilespmem:$0xE800] =	vst v63  }
.Ltmp3:
0xfb: {  	_ = 	snop;
	(pc) =	sbr.rel @p1 .LBB2_6-.Ltmp3, $4  }
0xfc: {  	s23 =	sadd.s32 $0x60, s0;
	s28 =	simm.s32 $0xC4F0  }
0xfd: {  	[hbm4b:s23+s3] =	stream.linear.scatter [tilespmem:s28], [sflag:$0x3], $0x80, $0x38;
	[tilespmem:$0xE800] =	vst v63  }
0xfe: {  	s0 =	sadd.s32 $0x70, s0;
	s31 =	simm.s32 $0xC578  }
0xff: {  	[hbm4b:s0+s3] =	stream.linear.scatter [tilespmem:s31], [sflag:$0x3], $0x80, $0x38;
	[tilespmem:$0xE800] =	vst v63  }
.Ltmp4:
0x100: {  	(pc) =	sbr.rel .LBB2_7-.Ltmp4, $4  }
0x101: {  	_ = 	snop  }
0x102: {  	_ =	swait.ge [sflag:s24], $0x2000  }
0x103: {  	[sflag:s24] =	ssyncset.done $0x0  }
0x104: {  	[sflag:s24] =	ssyncadd.s32 $0xFFFFE000  }
.LBB2_6:
0x105: {  	s0 =	sshrl.u32 s26, $0x2;
	s1 =	simm.s32 $0x80  }
.Ltmp5:
0x106: {  	s23 =	simm.s32 $0x6400;
	s0 =	sadd.s32 $0x100, s0;
	(pc) =	sbr.rel @p0 .LBB2_8-.Ltmp5, $4  }
0x107: {  	[tilespmem:s23], [sflag:$0x1] =	stream.indirect.gather [hbm4b:s4+s1], $0x40, s0, s1, $0xb8;
	[tilespmem:$0xE800] =	vst v63  }
0x108: {  	_ =	swait.ge [sflag:s24], $0x2000  }
0x109: {  	[sflag:s24] =	ssyncset.done $0x0  }
0x10a: {  	[sflag:s24] =	ssyncadd.s32 $0xFFFFE000  }
.LBB2_7:
0x10b: {  	_ =	swait.ge [sflag:s5], $0x2000  }
0x10c: {  	[sflag:s5] =	ssyncset.done $0x0  }
0x10d: {  	[sflag:s5] =	ssyncadd.s32 $0xFFFFE000  }
.LBB2_8:
0x10e: {  	s1 =	simm.s32 $0x8480;
	s0 =	simm.s32 $0x3  }
0x10f: {  	v4 =	vmov s0;
	v5 =	vld [tilespmem:s1+$0x40]  }
0x110: {  	v9 =	vand.u32 $0x7F, v4  }
0x111: {  	s23 =	simm.s32 $0x0;
	v4 =	vadd.s32 v0, v9  }
0x112: {  	s28 =	simm.s32 $0x2;
	v6 =	vmov s23;
	s23 =	simm.s32 $0x1;
	v7 =	vld [tilespmem:s1+$0xFFFFFF80]  }
0x113: {  	v10 =	vld [tilespmem:s1+$0xFFFFFFC0];
	v11 =	vmov s28;
	v8 =	vand.u32 $0x7C, v6;
	v6 =	vmov s23  }
0x114: {  	v12 =	vadd.s32 v0, v8;
	v15 =	vand.u32 $0x7D, v6;
	v6 =	vld [tilespmem:s1+$0x0];
	v5 =	vmul.f32 $8.000000000e+00, v5  }
0x115: {  	v17 =	vand.u32 $0x7E, v11;
	v13 =	vadd.s32 v0, v15  }
0x116: {  	v11 =	vadd.s32 v0, v17;
	[tilespmem:v4+s22+$0x0] =	vst.idx.msk $0xffff, v5  }
0x117: {  	v4 =	vmul.f32 $8.000000000e+00, v7;
	v5 =	vld [tilespmem:s1+$0x50]  }
0x118: {  	v7 =	vmul.f32 $8.000000000e+00, v10  }
0x119: {  	[tilespmem:v12+s22+$0x0] =	vst.idx.msk $0xffff, v4;
	v4 =	vmul.f32 $8.000000000e+00, v6;
	v6 =	vadd.s32 v1, v9  }
0x11a: {  	[tilespmem:v13+s22+$0x0] =	vst.idx.msk $0xffff, v7;
	v10 =	vld [tilespmem:s1+$0xFFFFFF90]  }
0x11b: {  	v7 =	vld [tilespmem:s1+$0xFFFFFFD0];
	[tilespmem:v11+s22+$0x0] =	vst.idx.msk $0xffff, v4  }
0x11c: {  	v11 =	vld [tilespmem:s1+$0x10];
	v4 =	vmul.f32 $8.000000000e+00, v5  }
0x11d: {  	s31 =	simm.s32 $0x7;
	s28 =	simm.s32 $0x8580;
	s23 =	simm.s32 $0x4;
	v12 =	vadd.s32 v1, v15  }
0x11e: {  	v14 =	vld [tilespmem:s28+$0x40];
	v13 =	vadd.s32 v1, v17;
	v5 =	vmov s23;
	[tilespmem:v6+s22+$0x0] =	vst.idx.msk $0xffff, v4;
	v6 =	vmov s31  }
0x11f: {  	v16 =	vadd.s32 v1, v8;
	v4 =	vand.u32 $0x7C, v5;
	v5 =	vand.u32 $0x7F, v6;
	v18 =	vld [tilespmem:s1+$0x60]  }
0x120: {  	v19 =	vld [tilespmem:s28+$0xFFFFFF80];
	v22 =	vadd.s32 v2, v9;
	s23 =	simm.s32 $0x5;
	v6 =	vmul.f32 $8.000000000e+00, v7;
	v20 =	vadd.s32 v0, v5  }
0x121: {  	v21 =	vld [tilespmem:s28+$0xFFFFFFC0];
	v10 =	vmul.f32 $8.000000000e+00, v10;
	v7 =	vmul.f32 $8.000000000e+00, v11;
	v11 =	vmov s23;
	s23 =	simm.s32 $0x6  }
0x122: {  	v23 =	vadd.s32 v0, v4;
	[tilespmem:v12+s22+$0x0] =	vst.idx.msk $0xffff, v6;
	v12 =	vmov s23;
	v6 =	vand.u32 $0x7D, v11;
	v11 =	vld [tilespmem:s28+$0x0]  }
0x123: {  	[tilespmem:v13+s22+$0x0] =	vst.idx.msk $0xffff, v7;
	v13 =	vadd.s32 v0, v6;
	v7 =	vand.u32 $0x7E, v12;
	v12 =	vmul.f32 $8.000000000e+00, v14;
	v14 =	vld [tilespmem:s1+$0xFFFFFFE0]  }
0x124: {  	[tilespmem:v16+s22+$0x0] =	vst.idx.msk $0xffff, v10;
	v10 =	vadd.s32 v0, v7;
	v16 =	vld [tilespmem:s1+$0x20];
	v18 =	vmul.f32 $8.000000000e+00, v18  }
0x125: {  	v19 =	vmul.f32 $8.000000000e+00, v19;
	[tilespmem:v20+s22+$0x0] =	vst.idx.msk $0xffff, v12;
	v12 =	vld [tilespmem:s1+$0xFFFFFFA0];
	v20 =	vadd.s32 v2, v15  }
0x126: {  	v25 =	vadd.s32 v2, v17;
	v21 =	vmul.f32 $8.000000000e+00, v21;
	v24 =	vld [tilespmem:s28+$0x50];
	[tilespmem:v22+s22+$0x0] =	vst.idx.msk $0xffff, v18  }
0x127: {  	[tilespmem:v23+s22+$0x0] =	vst.idx.msk $0xffff, v19;
	v19 =	vadd.s32 v2, v8;
	v11 =	vmul.f32 $8.000000000e+00, v11;
	v22 =	vld [tilespmem:s1+$0x70]  }
0x128: {  	v23 =	vld [tilespmem:s28+$0xFFFFFF90];
	[tilespmem:v13+s22+$0x0] =	vst.idx.msk $0xffff, v21;
	v21 =	vadd.s32 v1, v5;
	v14 =	vmul.f32 $8.000000000e+00, v14  }
0x129: {  	v27 =	vadd.s32 v3, v9;
	v26 =	vld [tilespmem:s28+$0xFFFFFFD0];
	[tilespmem:v10+s22+$0x0] =	vst.idx.msk $0xffff, v11;
	v10 =	vmul.f32 $8.000000000e+00, v16  }
0x12a: {  	v18 =	vadd.s32 v1, v4;
	v13 =	vld [tilespmem:s28+$0x10];
	v9 =	vmul.f32 $8.000000000e+00, v12;
	[tilespmem:v20+s22+$0x0] =	vst.idx.msk $0xffff, v14  }
0x12b: {  	s0 =	simm.s32 $0x8;
	v16 =	vadd.s32 v1, v6;
	[tilespmem:v25+s22+$0x0] =	vst.idx.msk $0xffff, v10;
	v14 =	vmul.f32 $8.000000000e+00, v24;
	v12 =	vld [tilespmem:s1+$0xFFFFFFF0]  }
0x12c: {  	v20 =	vmov s0;
	v10 =	vadd.s32 v1, v7;
	v11 =	vld [tilespmem:s1+$0x30];
	[tilespmem:v19+s22+$0x0] =	vst.idx.msk $0xffff, v9;
	v63 =	vmul.f32 $8.000000000e+00, v22  }
0x12d: {  	s31 =	simm.s32 $0x8680;
	s23 =	simm.s32 $0xB;
	v15 =	vadd.s32 v3, v15;
	v9 =	vand.u32 $0x7C, v20;
	v20 =	vmul.f32 $8.000000000e+00, v23;
	[tilespmem:v21+s22+$0x0] =	vst.idx.msk $0xffff, v14;
	v14 =	vld [tilespmem:s1+$0xFFFFFFB0]  }
0x12e: {  	v17 =	vadd.s32 v3, v17;
	v22 =	vmov s23;
	v19 =	vld [tilespmem:s31+$0x40];
	s1 =	simm.s32 $0xC;
	v21 =	vmul.f32 $8.000000000e+00, v26;
	[tilespmem:v27+s22+$0x0] =	vst.idx.msk $0xffff, v63  }
.LBB2_9:
0x12f: {  	p0 =	slt.u32 s1, $0x7C;
	s23 =	sadd.s32 $0x1, s0;
	v22 =	vand.u32 $0x7F, v22;
	[tilespmem:v18+s22+$0x0] =	vst.idx.msk $0xffff, v20;
	v13 =	vmul.f32 $8.000000000e+00, v13;
	v18 =	vld [tilespmem:s28+$0x60];
	v20 =	vadd.s32 v3, v8;
	v8 =	vmovc v4  }
0x130: {  	v4 =	vmovc v9;
	v23 =	vld [tilespmem:s31+$0xFFFFFF80];
	v24 =	vmov s23;
	s23 =	sadd.s32 $0x2, s0;
	v25 =	vadd.s32 v0, v22;
	[tilespmem:v16+s22+$0x0] =	vst.idx.msk $0xffff, v21;
	v12 =	vmul.f32 $8.000000000e+00, v12;
	s0 =	smov.u32 s1  }
0x131: {  	v9 =	vld [tilespmem:s31+$0xFFFFFFC0];
	v16 =	vmov s23;
	[tilespmem:v10+s22+$0x0] =	vst.idx.msk $0xffff, v13;
	v10 =	vadd.s32 v2, v5;
	v11 =	vmul.f32 $8.000000000e+00, v11  }
0x132: {  	v13 =	vadd.s32 v0, v4;
	v21 =	vand.u32 $0x7D, v24;
	v24 =	vld [tilespmem:s31+$0x0];
	v14 =	vmul.f32 $8.000000000e+00, v14;
	[tilespmem:v15+s22+$0x0] =	vst.idx.msk $0xffff, v12  }
0x133: {  	v12 =	vadd.s32 v0, v21;
	v26 =	vand.u32 $0x7E, v16;
	v15 =	vmul.f32 $8.000000000e+00, v19;
	v16 =	vld [tilespmem:s28+$0xFFFFFFE0];
	[tilespmem:v17+s22+$0x0] =	vst.idx.msk $0xffff, v11  }
0x134: {  	v11 =	vadd.s32 v0, v26;
	v17 =	vld [tilespmem:s28+$0x20];
	v18 =	vmul.f32 $8.000000000e+00, v18;
	[tilespmem:v20+s22+$0x0] =	vst.idx.msk $0xffff, v14  }
0x135: {  	v19 =	vadd.s32 v2, v6;
	v14 =	vmul.f32 $8.000000000e+00, v23;
	[tilespmem:v25+s22+$0x0] =	vst.idx.msk $0xffff, v15;
	v15 =	vld [tilespmem:s28+$0xFFFFFFA0]  }
0x136: {  	v23 =	vadd.s32 v2, v7;
	v9 =	vmul.f32 $8.000000000e+00, v9;
	v20 =	vld [tilespmem:s31+$0x50];
	[tilespmem:v10+s22+$0x0] =	vst.idx.msk $0xffff, v18  }
0x137: {  	[tilespmem:v13+s22+$0x0] =	vst.idx.msk $0xffff, v14;
	v10 =	vmul.f32 $8.000000000e+00, v24;
	v14 =	vadd.s32 v2, v8;
	v24 =	vld [tilespmem:s28+$0x70]  }
0x138: {  	v27 =	vadd.s32 v1, v22;
	v25 =	vld [tilespmem:s31+$0xFFFFFF90];
	[tilespmem:v12+s22+$0x0] =	vst.idx.msk $0xffff, v9;
	v9 =	vmul.f32 $8.000000000e+00, v16  }
0x139: {  	v29 =	vadd.s32 v3, v5;
	v5 =	vmov v22;
	v28 =	vld [tilespmem:s31+$0xFFFFFFD0];
	[tilespmem:v11+s22+$0x0] =	vst.idx.msk $0xffff, v10;
	v10 =	vmul.f32 $8.000000000e+00, v17  }
.Ltmp6:
0x13a: {  	v18 =	vadd.s32 v1, v4;
	v13 =	vld [tilespmem:s31+$0x10];
	v11 =	vmul.f32 $8.000000000e+00, v15;
	[tilespmem:v19+s22+$0x0] =	vst.idx.msk $0xffff, v9;
	(pc) =	sbr.rel @p0 .LBB2_9-.Ltmp6, $4  }
0x13b: {  	v16 =	vadd.s32 v1, v21;
	v15 =	vmul.f32 $8.000000000e+00, v20;
	v12 =	vld [tilespmem:s28+$0xFFFFFFF0];
	[tilespmem:v23+s22+$0x0] =	vst.idx.msk $0xffff, v10  }
0x13c: {  	v9 =	vmov s1;
	v10 =	vadd.s32 v1, v26;
	[tilespmem:v14+s22+$0x0] =	vst.idx.msk $0xffff, v11;
	v11 =	vld [tilespmem:s28+$0x30];
	v23 =	vmul.f32 $8.000000000e+00, v24  }
0x13d: {  	s23 =	sadd.s32 $0x3, s1;
	v9 =	vand.u32 $0x7C, v9;
	v20 =	vmul.f32 $8.000000000e+00, v25;
	[tilespmem:v27+s22+$0x0] =	vst.idx.msk $0xffff, v15;
	v14 =	vld [tilespmem:s28+$0xFFFFFFB0];
	v15 =	vadd.s32 v3, v6;
	v6 =	vmovc v21;
	s28 =	smov.u32 s31;
	s31 =	sadd.s32 $0x100, s31  }
0x13e: {  	v22 =	vmov s23;
	v17 =	vadd.s32 v3, v7;
	v7 =	vmovc v26;
	s1 =	sadd.s32 $0x4, s1;
	v19 =	vld [tilespmem:s31+$0x40];
	v21 =	vmul.f32 $8.000000000e+00, v28;
	[tilespmem:v29+s22+$0x0] =	vst.idx.msk $0xffff, v23  }
0x13f: {  	s1 =	sadd.s32 $0x1, s0;
	v22 =	vand.u32 $0x7F, v22;
	v28 =	vld [tilespmem:s31+$0xFFFFFF80]  }
0x140: {  	s23 =	sadd.s32 $0x2, s0;
	v24 =	vld [tilespmem:s31+$0xFFFFFFC0];
	v23 =	vmov s1;
	v26 =	vadd.s32 v0, v22  }
0x141: {  	v27 =	vld [tilespmem:s31+$0x0];
	v51 =	vadd.s32 v0, v9;
	v25 =	vmov s23;
	v23 =	vand.u32 $0x7D, v23  }
0x142: {  	v25 =	vand.u32 $0x7E, v25;
	v29 =	vadd.s32 v0, v23  }
0x143: {  	[tilespmem:v18+s22+$0x0] =	vst.idx.msk $0xffff, v20;
	v30 =	vadd.s32 v0, v25;
	v19 =	vmul.f32 $8.000000000e+00, v19  }
0x144: {  	[tilespmem:v16+s22+$0x0] =	vst.idx.msk $0xffff, v21;
	v54 =	vmul.f32 $8.000000000e+00, v28  }
0x145: {  	v52 =	vmul.f32 $8.000000000e+00, v24;
	[tilespmem:v26+s22+$0x0] =	vst.idx.msk $0xffff, v19  }
0x146: {  	v53 =	vmul.f32 $8.000000000e+00, v27;
	v55 =	vld [tilespmem:s31+$0x50];
	[tilespmem:v51+s22+$0x0] =	vst.idx.msk $0xffff, v54  }
0x147: {  	v13 =	vmul.f32 $8.000000000e+00, v13;
	v8 =	vadd.s32 v3, v8;
	[tilespmem:v29+s22+$0x0] =	vst.idx.msk $0xffff, v52;
	v59 =	vld [tilespmem:s31+$0xFFFFFF90]  }
0x148: {  	v12 =	vmul.f32 $8.000000000e+00, v12;
	v57 =	vadd.s32 v1, v22;
	[tilespmem:v30+s22+$0x0] =	vst.idx.msk $0xffff, v53;
	v56 =	vld [tilespmem:s31+$0xFFFFFFD0]  }
0x149: {  	[tilespmem:v10+s22+$0x0] =	vst.idx.msk $0xffff, v13;
	v58 =	vmul.f32 $8.000000000e+00, v11;
	v28 =	vadd.s32 v1, v9;
	v19 =	vld [tilespmem:s31+$0x10]  }
0x14a: {  	v61 =	vld [tilespmem:s28+$0x60];
	v60 =	vadd.s32 v1, v23;
	v14 =	vmul.f32 $8.000000000e+00, v14;
	[tilespmem:v15+s22+$0x0] =	vst.idx.msk $0xffff, v12  }
0x14b: {  	v32 =	vld [tilespmem:s28+$0xFFFFFFA0];
	v62 =	vadd.s32 v1, v25;
	[tilespmem:v17+s22+$0x0] =	vst.idx.msk $0xffff, v58;
	v16 =	vmul.f32 $8.000000000e+00, v55  }
0x14c: {  	[tilespmem:v8+s22+$0x0] =	vst.idx.msk $0xffff, v14;
	v29 =	vadd.s32 v2, v5;
	v30 =	vld [tilespmem:s28+$0x20];
	v11 =	vmul.f32 $8.000000000e+00, v59  }
0x14d: {  	v38 =	vadd.s32 v2, v4;
	v63 =	vld [tilespmem:s28+$0xFFFFFFE0];
	v31 =	vmul.f32 $8.000000000e+00, v56;
	[tilespmem:v57+s22+$0x0] =	vst.idx.msk $0xffff, v16  }
0x14e: {  	v35 =	vadd.s32 v2, v7;
	v34 =	vmul.f32 $8.000000000e+00, v19;
	v36 =	vld [tilespmem:s31+$0x60];
	[tilespmem:v28+s22+$0x0] =	vst.idx.msk $0xffff, v11  }
0x14f: {  	v33 =	vadd.s32 v2, v6;
	v37 =	vmul.f32 $8.000000000e+00, v61;
	[tilespmem:v60+s22+$0x0] =	vst.idx.msk $0xffff, v31;
	v43 =	vld [tilespmem:s31+$0xFFFFFFA0]  }
0x150: {  	v40 =	vadd.s32 v2, v22;
	v14 =	vmul.f32 $8.000000000e+00, v32;
	[tilespmem:v62+s22+$0x0] =	vst.idx.msk $0xffff, v34;
	v39 =	vld [tilespmem:s31+$0xFFFFFFE0]  }
0x151: {  	v48 =	vadd.s32 v2, v9;
	[tilespmem:v29+s22+$0x0] =	vst.idx.msk $0xffff, v37;
	v42 =	vmul.f32 $8.000000000e+00, v30;
	v41 =	vld [tilespmem:s31+$0x20]  }
0x152: {  	v44 =	vadd.s32 v2, v23;
	v15 =	vmul.f32 $8.000000000e+00, v63;
	[tilespmem:v38+s22+$0x0] =	vst.idx.msk $0xffff, v14;
	v45 =	vld [tilespmem:s28+$0x70]  }
0x153: {  	v46 =	vadd.s32 v2, v25;
	v14 =	vld [tilespmem:s28+$0xFFFFFFB0];
	[tilespmem:v35+s22+$0x0] =	vst.idx.msk $0xffff, v42;
	v47 =	vmul.f32 $8.000000000e+00, v36  }
0x154: {  	v5 =	vadd.s32 v3, v5;
	[tilespmem:v33+s22+$0x0] =	vst.idx.msk $0xffff, v15;
	v49 =	vld [tilespmem:s28+$0x30];
	v53 =	vmul.f32 $8.000000000e+00, v43  }
0x155: {  	v4 =	vadd.s32 v3, v4;
	v21 =	vld [tilespmem:s28+$0xFFFFFFF0];
	v12 =	vmul.f32 $8.000000000e+00, v39;
	[tilespmem:v40+s22+$0x0] =	vst.idx.msk $0xffff, v47  }
0x156: {  	v52 =	vadd.s32 v3, v7;
	v51 =	vmul.f32 $8.000000000e+00, v41;
	v10 =	vld [tilespmem:s31+$0x70];
	[tilespmem:v48+s22+$0x0] =	vst.idx.msk $0xffff, v53  }
0x157: {  	v50 =	vadd.s32 v3, v6;
	v54 =	vmul.f32 $8.000000000e+00, v45;
	[tilespmem:v44+s22+$0x0] =	vst.idx.msk $0xffff, v12;
	v59 =	vld [tilespmem:s31+$0xFFFFFFB0]  }
0x158: {  	v57 =	vadd.s32 v3, v22;
	v14 =	vmul.f32 $8.000000000e+00, v14;
	[tilespmem:v46+s22+$0x0] =	vst.idx.msk $0xffff, v51;
	v55 =	vld [tilespmem:s31+$0xFFFFFFF0]  }
0x159: {  	v62 =	vadd.s32 v3, v9;
	[tilespmem:v5+s22+$0x0] =	vst.idx.msk $0xffff, v54;
	v5 =	vmul.f32 $8.000000000e+00, v49;
	v58 =	vld [tilespmem:s31+$0x30]  }
0x15a: {  	v56 =	vmul.f32 $8.000000000e+00, v21;
	v60 =	vadd.s32 v3, v23;
	[tilespmem:v4+s22+$0x0] =	vst.idx.msk $0xffff, v14  }
0x15b: {  	v61 =	vadd.s32 v3, v25;
	[tilespmem:v52+s22+$0x0] =	vst.idx.msk $0xffff, v5;
	v5 =	vmul.f32 $8.000000000e+00, v10  }
0x15c: {  	[tilespmem:v50+s22+$0x0] =	vst.idx.msk $0xffff, v56;
	v63 =	vmul.f32 $8.000000000e+00, v59  }
0x15d: {  	v4 =	vmul.f32 $8.000000000e+00, v55;
	[tilespmem:v57+s22+$0x0] =	vst.idx.msk $0xffff, v5  }
0x15e: {  	v5 =	vmul.f32 $8.000000000e+00, v58;
	[tilespmem:v62+s22+$0x0] =	vst.idx.msk $0xffff, v63  }
0x15f: {  	[tilespmem:v60+s22+$0x0] =	vst.idx.msk $0xffff, v4  }
0x160: {  	s0 =	sadd.s32 s2, s14;
	[tilespmem:v61+s22+$0x0] =	vst.idx.msk $0xffff, v5  }
0x161: {  	[hbm4b:s0+s3] =	stream.linear.scatter [tilespmem:s22], [sflag:$0x4], $0x80, $0x38;
	[tilespmem:$0xE800] =	vst v63  }
0x162: {  	s23 =	simm.s32 $0xC688;
	s31 =	sadd.s32 $0x10, s0  }
0x163: {  	[hbm4b:s31+s3] =	stream.linear.scatter [tilespmem:s23], [sflag:$0x4], $0x80, $0x38;
	[tilespmem:$0xE800] =	vst v63  }
0x164: {  	s28 =	sadd.s32 $0x20, s0;
	s31 =	simm.s32 $0xC710  }
0x165: {  	[hbm4b:s28+s3] =	stream.linear.scatter [tilespmem:s31], [sflag:$0x4], $0x80, $0x38;
	[tilespmem:$0xE800] =	vst v63  }
0x166: {  	s28 =	sadd.s32 $0x30, s0;
	s31 =	simm.s32 $0xC798  }
0x167: {  	[hbm4b:s28+s3] =	stream.linear.scatter [tilespmem:s31], [sflag:$0x4], $0x80, $0x38;
	[tilespmem:$0xE800] =	vst v63  }
0x168: {  	s28 =	sadd.s32 $0x40, s0;
	s31 =	simm.s32 $0xC820  }
0x169: {  	[hbm4b:s28+s3] =	stream.linear.scatter [tilespmem:s31], [sflag:$0x4], $0x80, $0x38;
	[tilespmem:$0xE800] =	vst v63  }
0x16a: {  	s28 =	sadd.s32 $0x50, s0;
	s31 =	simm.s32 $0xC8A8  }
0x16b: {  	[hbm4b:s28+s3] =	stream.linear.scatter [tilespmem:s31], [sflag:$0x4], $0x80, $0x38;
	[tilespmem:$0xE800] =	vst v63  }
0x16c: {  	s23 =	sadd.s32 $0x60, s0;
	s28 =	simm.s32 $0xC930  }
0x16d: {  	[hbm4b:s23+s3] =	stream.linear.scatter [tilespmem:s28], [sflag:$0x4], $0x80, $0x38;
	[tilespmem:$0xE800] =	vst v63  }
0x16e: {  	s0 =	sadd.s32 $0x70, s0;
	s31 =	simm.s32 $0xC9B8  }
0x16f: {  	[hbm4b:s0+s3] =	stream.linear.scatter [tilespmem:s31], [sflag:$0x4], $0x80, $0x38;
	[tilespmem:$0xE800] =	vst v63  }
0x170: {  	s23 =	simm.s32 $0xCA40;
	s0 =	sadd.s32 s2, s15  }
0x171: {  	[hbm4b:s0+s3] =	stream.linear.scatter [tilespmem:s23], [sflag:$0x4], $0x80, $0x38;
	[tilespmem:$0xE800] =	vst v63  }
0x172: {  	s31 =	simm.s32 $0xCAC8;
	s28 =	sadd.s32 $0x10, s0  }
0x173: {  	[hbm4b:s28+s3] =	stream.linear.scatter [tilespmem:s31], [sflag:$0x4], $0x80, $0x38;
	[tilespmem:$0xE800] =	vst v63  }
0x174: {  	s28 =	sadd.s32 $0x20, s0;
	s31 =	simm.s32 $0xCB50  }
0x175: {  	[hbm4b:s28+s3] =	stream.linear.scatter [tilespmem:s31], [sflag:$0x4], $0x80, $0x38;
	[tilespmem:$0xE800] =	vst v63  }
0x176: {  	s28 =	sadd.s32 $0x30, s0;
	s31 =	simm.s32 $0xCBD8  }
0x177: {  	[hbm4b:s28+s3] =	stream.linear.scatter [tilespmem:s31], [sflag:$0x4], $0x80, $0x38;
	[tilespmem:$0xE800] =	vst v63  }
0x178: {  	s28 =	sadd.s32 $0x40, s0;
	s31 =	simm.s32 $0xCC60  }
0x179: {  	[hbm4b:s28+s3] =	stream.linear.scatter [tilespmem:s31], [sflag:$0x4], $0x80, $0x38;
	[tilespmem:$0xE800] =	vst v63  }
0x17a: {  	s28 =	sadd.s32 $0x50, s0;
	s31 =	simm.s32 $0xCCE8  }
0x17b: {  	[hbm4b:s28+s3] =	stream.linear.scatter [tilespmem:s31], [sflag:$0x4], $0x80, $0x38;
	[tilespmem:$0xE800] =	vst v63  }
0x17c: {  	s23 =	sadd.s32 $0x60, s0;
	s28 =	simm.s32 $0xCD70  }
0x17d: {  	[hbm4b:s23+s3] =	stream.linear.scatter [tilespmem:s28], [sflag:$0x4], $0x80, $0x38;
	[tilespmem:$0xE800] =	vst v63  }
0x17e: {  	s0 =	sadd.s32 $0x70, s0;
	s31 =	simm.s32 $0xCDF8  }
0x17f: {  	[hbm4b:s0+s3] =	stream.linear.scatter [tilespmem:s31], [sflag:$0x4], $0x80, $0x38;
	[tilespmem:$0xE800] =	vst v63  }
0x180: {  	s23 =	simm.s32 $0xCE80;
	s0 =	sadd.s32 s2, s16  }
0x181: {  	[hbm4b:s0+s3] =	stream.linear.scatter [tilespmem:s23], [sflag:$0x4], $0x80, $0x38;
	[tilespmem:$0xE800] =	vst v63  }
0x182: {  	s31 =	simm.s32 $0xCF08;
	s28 =	sadd.s32 $0x10, s0  }
0x183: {  	[hbm4b:s28+s3] =	stream.linear.scatter [tilespmem:s31], [sflag:$0x4], $0x80, $0x38;
	[tilespmem:$0xE800] =	vst v63  }
0x184: {  	s28 =	sadd.s32 $0x20, s0;
	s31 =	simm.s32 $0xCF90  }
0x185: {  	[hbm4b:s28+s3] =	stream.linear.scatter [tilespmem:s31], [sflag:$0x4], $0x80, $0x38;
	[tilespmem:$0xE800] =	vst v63  }
0x186: {  	s28 =	sadd.s32 $0x30, s0;
	s31 =	simm.s32 $0xD018  }
0x187: {  	[hbm4b:s28+s3] =	stream.linear.scatter [tilespmem:s31], [sflag:$0x4], $0x80, $0x38;
	[tilespmem:$0xE800] =	vst v63  }
0x188: {  	s28 =	sadd.s32 $0x40, s0;
	s31 =	simm.s32 $0xD0A0  }
0x189: {  	[hbm4b:s28+s3] =	stream.linear.scatter [tilespmem:s31], [sflag:$0x4], $0x80, $0x38;
	[tilespmem:$0xE800] =	vst v63  }
0x18a: {  	s28 =	sadd.s32 $0x50, s0;
	s31 =	simm.s32 $0xD128  }
0x18b: {  	[hbm4b:s28+s3] =	stream.linear.scatter [tilespmem:s31], [sflag:$0x4], $0x80, $0x38;
	[tilespmem:$0xE800] =	vst v63  }
0x18c: {  	s23 =	sadd.s32 $0x60, s0;
	s28 =	simm.s32 $0xD1B0  }
0x18d: {  	[hbm4b:s23+s3] =	stream.linear.scatter [tilespmem:s28], [sflag:$0x4], $0x80, $0x38;
	[tilespmem:$0xE800] =	vst v63  }
0x18e: {  	s0 =	sadd.s32 $0x70, s0;
	s31 =	simm.s32 $0xD238  }
0x18f: {  	[hbm4b:s0+s3] =	stream.linear.scatter [tilespmem:s31], [sflag:$0x4], $0x80, $0x38;
	[tilespmem:$0xE800] =	vst v63  }
0x190: {  	s23 =	simm.s32 $0xD2C0;
	s0 =	sadd.s32 s2, s17  }
0x191: {  	[hbm4b:s0+s3] =	stream.linear.scatter [tilespmem:s23], [sflag:$0x4], $0x80, $0x38;
	[tilespmem:$0xE800] =	vst v63  }
0x192: {  	s31 =	simm.s32 $0xD348;
	s28 =	sadd.s32 $0x10, s0  }
0x193: {  	[hbm4b:s28+s3] =	stream.linear.scatter [tilespmem:s31], [sflag:$0x4], $0x80, $0x38;
	[tilespmem:$0xE800] =	vst v63  }
0x194: {  	s28 =	sadd.s32 $0x20, s0;
	s31 =	simm.s32 $0xD3D0  }
0x195: {  	[hbm4b:s28+s3] =	stream.linear.scatter [tilespmem:s31], [sflag:$0x4], $0x80, $0x38;
	[tilespmem:$0xE800] =	vst v63  }
0x196: {  	s28 =	sadd.s32 $0x30, s0;
	s31 =	simm.s32 $0xD458  }
0x197: {  	[hbm4b:s28+s3] =	stream.linear.scatter [tilespmem:s31], [sflag:$0x4], $0x80, $0x38;
	[tilespmem:$0xE800] =	vst v63  }
0x198: {  	s28 =	sadd.s32 $0x40, s0;
	s31 =	simm.s32 $0xD4E0  }
0x199: {  	[hbm4b:s28+s3] =	stream.linear.scatter [tilespmem:s31], [sflag:$0x4], $0x80, $0x38;
	[tilespmem:$0xE800] =	vst v63  }
0x19a: {  	s28 =	sadd.s32 $0x50, s0;
	s31 =	simm.s32 $0xD568  }
0x19b: {  	[hbm4b:s28+s3] =	stream.linear.scatter [tilespmem:s31], [sflag:$0x4], $0x80, $0x38;
	[tilespmem:$0xE800] =	vst v63  }
0x19c: {  	s23 =	sadd.s32 $0x60, s0;
	s28 =	simm.s32 $0xD5F0  }
0x19d: {  	[hbm4b:s23+s3] =	stream.linear.scatter [tilespmem:s28], [sflag:$0x4], $0x80, $0x38;
	[tilespmem:$0xE800] =	vst v63  }
0x19e: {  	s0 =	sadd.s32 $0x70, s0;
	s31 =	simm.s32 $0xD678  }
0x19f: {  	[hbm4b:s0+s3] =	stream.linear.scatter [tilespmem:s31], [sflag:$0x4], $0x80, $0x38;
	[tilespmem:$0xE800] =	vst v63  }
0x1a0: {  	s23 =	simm.s32 $0xD700;
	s0 =	sadd.s32 s2, s18  }
0x1a1: {  	[hbm4b:s0+s3] =	stream.linear.scatter [tilespmem:s23], [sflag:$0x4], $0x80, $0x38;
	[tilespmem:$0xE800] =	vst v63  }
0x1a2: {  	s31 =	simm.s32 $0xD788;
	s28 =	sadd.s32 $0x10, s0  }
0x1a3: {  	[hbm4b:s28+s3] =	stream.linear.scatter [tilespmem:s31], [sflag:$0x4], $0x80, $0x38;
	[tilespmem:$0xE800] =	vst v63  }
0x1a4: {  	s28 =	sadd.s32 $0x20, s0;
	s31 =	simm.s32 $0xD810  }
0x1a5: {  	[hbm4b:s28+s3] =	stream.linear.scatter [tilespmem:s31], [sflag:$0x4], $0x80, $0x38;
	[tilespmem:$0xE800] =	vst v63  }
0x1a6: {  	s28 =	sadd.s32 $0x30, s0;
	s31 =	simm.s32 $0xD898  }
0x1a7: {  	[hbm4b:s28+s3] =	stream.linear.scatter [tilespmem:s31], [sflag:$0x4], $0x80, $0x38;
	[tilespmem:$0xE800] =	vst v63  }
0x1a8: {  	s28 =	sadd.s32 $0x40, s0;
	s31 =	simm.s32 $0xD920  }
0x1a9: {  	[hbm4b:s28+s3] =	stream.linear.scatter [tilespmem:s31], [sflag:$0x4], $0x80, $0x38;
	[tilespmem:$0xE800] =	vst v63  }
0x1aa: {  	s28 =	sadd.s32 $0x50, s0;
	s31 =	simm.s32 $0xD9A8  }
0x1ab: {  	[hbm4b:s28+s3] =	stream.linear.scatter [tilespmem:s31], [sflag:$0x4], $0x80, $0x38;
	[tilespmem:$0xE800] =	vst v63  }
0x1ac: {  	s23 =	sadd.s32 $0x60, s0;
	s28 =	simm.s32 $0xDA30  }
0x1ad: {  	[hbm4b:s23+s3] =	stream.linear.scatter [tilespmem:s28], [sflag:$0x4], $0x80, $0x38;
	[tilespmem:$0xE800] =	vst v63  }
0x1ae: {  	s0 =	sadd.s32 $0x70, s0;
	s31 =	simm.s32 $0xDAB8  }
0x1af: {  	[hbm4b:s0+s3] =	stream.linear.scatter [tilespmem:s31], [sflag:$0x4], $0x80, $0x38;
	[tilespmem:$0xE800] =	vst v63  }
0x1b0: {  	s23 =	simm.s32 $0xDB40;
	s0 =	sadd.s32 s2, s19  }
0x1b1: {  	[hbm4b:s0+s3] =	stream.linear.scatter [tilespmem:s23], [sflag:$0x4], $0x80, $0x38;
	[tilespmem:$0xE800] =	vst v63  }
0x1b2: {  	s31 =	simm.s32 $0xDBC8;
	s28 =	sadd.s32 $0x10, s0  }
0x1b3: {  	[hbm4b:s28+s3] =	stream.linear.scatter [tilespmem:s31], [sflag:$0x4], $0x80, $0x38;
	[tilespmem:$0xE800] =	vst v63  }
0x1b4: {  	s28 =	sadd.s32 $0x20, s0;
	s31 =	simm.s32 $0xDC50  }
0x1b5: {  	[hbm4b:s28+s3] =	stream.linear.scatter [tilespmem:s31], [sflag:$0x4], $0x80, $0x38;
	[tilespmem:$0xE800] =	vst v63  }
0x1b6: {  	s28 =	sadd.s32 $0x30, s0;
	s31 =	simm.s32 $0xDCD8  }
0x1b7: {  	[hbm4b:s28+s3] =	stream.linear.scatter [tilespmem:s31], [sflag:$0x4], $0x80, $0x38;
	[tilespmem:$0xE800] =	vst v63  }
0x1b8: {  	s28 =	sadd.s32 $0x40, s0;
	s31 =	simm.s32 $0xDD60  }
0x1b9: {  	[hbm4b:s28+s3] =	stream.linear.scatter [tilespmem:s31], [sflag:$0x4], $0x80, $0x38;
	[tilespmem:$0xE800] =	vst v63  }
0x1ba: {  	s28 =	sadd.s32 $0x50, s0;
	s31 =	simm.s32 $0xDDE8  }
0x1bb: {  	[hbm4b:s28+s3] =	stream.linear.scatter [tilespmem:s31], [sflag:$0x4], $0x80, $0x38;
	[tilespmem:$0xE800] =	vst v63  }
0x1bc: {  	s23 =	sadd.s32 $0x60, s0;
	s28 =	simm.s32 $0xDE70  }
0x1bd: {  	[hbm4b:s23+s3] =	stream.linear.scatter [tilespmem:s28], [sflag:$0x4], $0x80, $0x38;
	[tilespmem:$0xE800] =	vst v63  }
0x1be: {  	s0 =	sadd.s32 $0x70, s0;
	s31 =	simm.s32 $0xDEF8  }
0x1bf: {  	[hbm4b:s0+s3] =	stream.linear.scatter [tilespmem:s31], [sflag:$0x4], $0x80, $0x38;
	[tilespmem:$0xE800] =	vst v63  }
0x1c0: {  	s23 =	simm.s32 $0xDF80;
	s0 =	sadd.s32 s2, s20  }
0x1c1: {  	[hbm4b:s0+s3] =	stream.linear.scatter [tilespmem:s23], [sflag:$0x4], $0x80, $0x38;
	[tilespmem:$0xE800] =	vst v63  }
0x1c2: {  	s31 =	simm.s32 $0xE008;
	s28 =	sadd.s32 $0x10, s0  }
0x1c3: {  	[hbm4b:s28+s3] =	stream.linear.scatter [tilespmem:s31], [sflag:$0x4], $0x80, $0x38;
	[tilespmem:$0xE800] =	vst v63  }
0x1c4: {  	s28 =	sadd.s32 $0x20, s0;
	s31 =	simm.s32 $0xE090  }
0x1c5: {  	[hbm4b:s28+s3] =	stream.linear.scatter [tilespmem:s31], [sflag:$0x4], $0x80, $0x38;
	[tilespmem:$0xE800] =	vst v63  }
0x1c6: {  	s28 =	sadd.s32 $0x30, s0;
	s31 =	simm.s32 $0xE118  }
0x1c7: {  	[hbm4b:s28+s3] =	stream.linear.scatter [tilespmem:s31], [sflag:$0x4], $0x80, $0x38;
	[tilespmem:$0xE800] =	vst v63  }
0x1c8: {  	s28 =	sadd.s32 $0x40, s0;
	s31 =	simm.s32 $0xE1A0  }
0x1c9: {  	[hbm4b:s28+s3] =	stream.linear.scatter [tilespmem:s31], [sflag:$0x4], $0x80, $0x38;
	[tilespmem:$0xE800] =	vst v63  }
0x1ca: {  	s28 =	sadd.s32 $0x50, s0;
	s31 =	simm.s32 $0xE228  }
0x1cb: {  	[hbm4b:s28+s3] =	stream.linear.scatter [tilespmem:s31], [sflag:$0x4], $0x80, $0x38;
	[tilespmem:$0xE800] =	vst v63  }
0x1cc: {  	s23 =	sadd.s32 $0x60, s0;
	s28 =	simm.s32 $0xE2B0  }
0x1cd: {  	[hbm4b:s23+s3] =	stream.linear.scatter [tilespmem:s28], [sflag:$0x4], $0x80, $0x38;
	[tilespmem:$0xE800] =	vst v63  }
0x1ce: {  	s0 =	sadd.s32 $0x70, s0;
	s31 =	simm.s32 $0xE338  }
0x1cf: {  	[hbm4b:s0+s3] =	stream.linear.scatter [tilespmem:s31], [sflag:$0x4], $0x80, $0x38;
	[tilespmem:$0xE800] =	vst v63  }
0x1d0: {  	s23 =	simm.s32 $0xE3C0;
	s0 =	sadd.s32 s2, s21  }
0x1d1: {  	[hbm4b:s0+s3] =	stream.linear.scatter [tilespmem:s23], [sflag:$0x4], $0x80, $0x38;
	[tilespmem:$0xE800] =	vst v63  }
0x1d2: {  	s31 =	simm.s32 $0xE448;
	s28 =	sadd.s32 $0x10, s0  }
0x1d3: {  	[hbm4b:s28+s3] =	stream.linear.scatter [tilespmem:s31], [sflag:$0x4], $0x80, $0x38;
	[tilespmem:$0xE800] =	vst v63  }
0x1d4: {  	s2 =	sadd.s32 $0x20, s0;
	s23 =	simm.s32 $0xE4D0  }
0x1d5: {  	[hbm4b:s2+s3] =	stream.linear.scatter [tilespmem:s23], [sflag:$0x4], $0x80, $0x38;
	[tilespmem:$0xE800] =	vst v63  }
0x1d6: {  	s28 =	sadd.s32 $0x30, s0;
	s31 =	simm.s32 $0xE558  }
0x1d7: {  	[hbm4b:s28+s3] =	stream.linear.scatter [tilespmem:s31], [sflag:$0x4], $0x80, $0x38;
	[tilespmem:$0xE800] =	vst v63  }
0x1d8: {  	s2 =	sadd.s32 $0x40, s0;
	s23 =	simm.s32 $0xE5E0  }
0x1d9: {  	[hbm4b:s2+s3] =	stream.linear.scatter [tilespmem:s23], [sflag:$0x4], $0x80, $0x38;
	[tilespmem:$0xE800] =	vst v63  }
0x1da: {  	p0 =	seq.s32 s25, $0x63;
	s28 =	sadd.s32 $0x50, s0;
	s31 =	simm.s32 $0xE668  }
0x1db: {  	[hbm4b:s28+s3] =	stream.linear.scatter [tilespmem:s31], [sflag:$0x4], $0x80, $0x38;
	[tilespmem:$0xE800] =	vst v63  }
.Ltmp7:
0x1dc: {  	_ = 	snop;
	(pc) =	sbr.rel @p0 .LBB2_12-.Ltmp7, $4  }
0x1dd: {  	s23 =	sadd.s32 $0x60, s0;
	s28 =	simm.s32 $0xE6F0  }
0x1de: {  	[hbm4b:s23+s3] =	stream.linear.scatter [tilespmem:s28], [sflag:$0x4], $0x80, $0x38;
	[tilespmem:$0xE800] =	vst v63  }
0x1df: {  	s0 =	sadd.s32 $0x70, s0;
	s31 =	simm.s32 $0xE778  }
0x1e0: {  	[hbm4b:s0+s3] =	stream.linear.scatter [tilespmem:s31], [sflag:$0x4], $0x80, $0x38;
	[tilespmem:$0xE800] =	vst v63  }
.Ltmp8:
0x1e1: {  	(pc) =	sbr.rel .LBB2_2-.Ltmp8, $4  }
0x1e2: {  	_ = 	snop  }
0x1e3: {  	s0 =	sshrl.u32 s26, $0x2;
	s1 =	simm.s32 $0x80  }
0x1e4: {  	s2 =	simm.s32 $0x8400;
	s25 =	sadd.s32 $0x1, s25;
	s0 =	sadd.s32 $0x180, s0  }
0x1e5: {  	[tilespmem:s2], [sflag:$0x2] =	stream.indirect.gather [hbm4b:s4+s1], $0x40, s0, s1, $0xb8;
	[tilespmem:$0xE800] =	vst v63  }
.LBB2_13:
0x1e6: {  	_ =	sfence.sel $0x180000  }
0x1e7: {  	[bflag:$0x0] =	sbarrier.arrive $0xFFFF  }
0x1e8: {  	_ =	strace $0x90000047  }
0x1e9: {  	s0 =	stileid.u32;
	[bflag:$0x2] =	sbarrier.arrive $0xFFFF  }
0x1ea: {  	p0 =	sne.s32 s0, $0x0;
	s0 =	rddreg [dreg:$0x2]  }
0x1eb: {  	s0 =	sadd.s32 @!p0 $0x100000, s0  }
0x1ec: {  	[sflag:s0] =	ssyncadd.tile.s32 @!p0 $0x1;
	_ =	shalt  }
.Lfunc_end2:
_tile_overlayer_lowered:
.L_overlay_start_2:
0x1ed: {  	(tag) =	ssettag $0x2  }
0x1ee: {  	s0 =	rddreg [dreg:$0x0];
	s2 =	stileid.u32  }
0x1ef: {  	s1 =	rddreg [dreg:$0x1];
	p0 =	sne.s32 s2, $0x0  }
0x1f0: {  	s3 =	rddreg [dreg:$0x2];
	[bflag:$0x3] =	sbarrier.arrive $0xFFFF;
	s2 =	simm.s32 @!p0 $0x1C05  }
0x1f1: {  	[timem:s3], [sflag:s2] =	dma.local @!p0 [hbm:s0], s1  }
0x1f2: {  	s0 =	simm.s32 @!p0 $0x5  }
0x1f3: {  	_ =	swait.ge @!p0 [sflag:s0], s1  }
0x1f4: {  	s1 =	ssub.s32 @!p0 $0x0, s1;
	[sflag:s0] =	ssyncset.done @!p0 $0x0  }
0x1f5: {  	[sflag:s0] =	ssyncadd.s32 @!p0 s1  }
0x1f6: {  	[bflag:$0x3] =	sbarrier.arrive $0xFFFF  }
0x1f7: {  	_ =	shalt  }

</sc_bundles>
